<compile_context>
chip_gen: v7x
topology: tpu7x:2x2x1
jax: 0.10.2.dev20260603
libtpu: 0.0.44.dev20260713+nightly
codegen_flags: <defaults>
</compile_context>

<pallas_src>
import functools

import jax
import jax.numpy as jnp
from jax import lax
from jax.experimental import pallas as pl
from jax.experimental.pallas import tpu as pltpu
from jax.experimental.pallas import tpu_sc as plsc

VOCAB = 1000000
EMB = 64
OUT = 6
PAD = 16
B, L = 4096, 200
N_TOK = B * L

CBLK = 23808
NST = 42
MAIN = NST * CBLK
VPR = 128 // PAD
GRP = CBLK // VPR
T3_ROWS = VOCAB // VPR


def _mlp_body(tt_hbm, mc_ref, bias_ref, out_ref, buf, sem):
    i = pl.program_id(0)

    @pl.when(i == 0)
    def _():
        pltpu.make_async_copy(tt_hbm.at[:, pl.ds(0, CBLK)], buf.at[0],
                              sem.at[0]).start()
        pltpu.make_async_copy(tt_hbm.at[:, pl.ds(CBLK, CBLK)], buf.at[1],
                              sem.at[1]).start()

    @pl.when(i + 2 <= NST - 1)
    def _():
        ns = lax.rem(i + 2, 3)
        pltpu.make_async_copy(tt_hbm.at[:, pl.ds((i + 2) * CBLK, CBLK)],
                              buf.at[ns], sem.at[ns]).start()

    slot = lax.rem(i, 3)
    pltpu.make_async_copy(tt_hbm.at[:, pl.ds(i * CBLK, CBLK)], buf.at[slot],
                          sem.at[slot]).wait()
    mc = mc_ref[...]
    bias = bias_ref[...]
    for m in range(VPR):
        tbm = buf[slot, :, m * GRP:(m + 1) * GRP]
        o = lax.dot_general(tbm, mc, (((0,), (0,)), ((), ())),
                            preferred_element_type=jnp.float32)
        o = o + bias
        out_ref[:, m * PAD:(m + 1) * PAD] = jnp.where(o > 0.0, o,
                                                      jnp.exp(o) - 1.0)


def _transform_table(tt, Mc, bias):
    return pl.pallas_call(
        _mlp_body,
        grid=(NST,),
        in_specs=[
            pl.BlockSpec(memory_space=pl.ANY),
            pl.BlockSpec((EMB, PAD), lambda i: (0, 0)),
            pl.BlockSpec((1, PAD), lambda i: (0, 0)),
        ],
        out_specs=pl.BlockSpec((GRP, 128), lambda i: (i, 0)),
        out_shape=jax.ShapeDtypeStruct((T3_ROWS, 128), jnp.float32),
        scratch_shapes=[
            pltpu.VMEM((3, EMB, CBLK), jnp.float32),
            pltpu.SemaphoreType.DMA((3,)),
        ],
        compiler_params=pltpu.CompilerParams(
            dimension_semantics=("arbitrary",),
        ),
    )(tt, Mc, bias)


def _tail_body(main_ref, tail_ref, out_ref):
    out_ref[...] = tail_ref[...]


def _patch_tail(t3main, tail8):
    return pl.pallas_call(
        _tail_body,
        grid=(1,),
        in_specs=[
            pl.BlockSpec(memory_space=pl.ANY),
            pl.BlockSpec((8, 128), lambda i: (0, 0)),
        ],
        out_specs=pl.BlockSpec((8, 128), lambda i: (T3_ROWS // 8 - 1, 0)),
        out_shape=jax.ShapeDtypeStruct((T3_ROWS, 128), jnp.float32),
        input_output_aliases={0: 0},
    )(t3main, tail8)


NC, NS = 2, 16
NW = NC * NS
PER_W = N_TOK // NW
CH = 3200
N_CH = PER_W // CH


def _gather_body(table_hbm, idx_hbm, out_hbm, idx_v, rows_v, sem):
    wid = lax.axis_index("s") * NC + lax.axis_index("c")
    base = wid * PER_W
    for j in range(N_CH):
        off = base + j * CH
        pltpu.sync_copy(idx_hbm.at[pl.ds(off, CH)], idx_v)
        pltpu.async_copy(table_hbm.at[idx_v], rows_v, sem).wait()
        pltpu.sync_copy(rows_v, out_hbm.at[pl.ds(off, CH)])


@functools.cache
def _make_gather():
    return pl.kernel(
        _gather_body,
        mesh=plsc.VectorSubcoreMesh(core_axis_name="c", subcore_axis_name="s"),
        out_type=jax.ShapeDtypeStruct((N_TOK, PAD), jnp.float32),
        scratch_types=[
            pltpu.VMEM((CH,), jnp.int32),
            pltpu.VMEM((CH, PAD), jnp.float32),
            pltpu.SemaphoreType.DMA,
        ],
        compiler_params=pltpu.CompilerParams(use_tc_tiling_on_sc=False),
    )


def kernel(src, table, W1, b1, W2, b2):
    W2p = jnp.zeros((PAD, EMB), jnp.float32).at[:OUT].set(W2)
    b2p = jnp.zeros((PAD,), jnp.float32).at[:OUT].set(b2)
    Mc = jnp.dot(W2p, W1, precision=lax.Precision.HIGHEST)
    bias = (W2p @ b1 + b2p).reshape(1, PAD)

    t3main = _transform_table(table.T, Mc.T, bias)

    ttail = lax.slice(table, (MAIN, 0), (VOCAB, EMB))
    to = jnp.dot(ttail, Mc.T, precision=lax.Precision.HIGHEST) + bias
    tail8 = jnp.where(to > 0.0, to, jnp.expm1(to)).reshape(8, 128)
    t3 = _patch_tail(t3main, tail8)

    v = src.reshape(N_TOK)
    r = v % CBLK
    idx2 = jnp.where(v < MAIN,
                     ((v // CBLK) * GRP + r % GRP) * VPR + r // GRP,
                     v).astype(jnp.int32)

    rows = _make_gather()(t3.reshape(VOCAB, PAD), idx2)
    return rows[:, :OUT].reshape(B, L, OUT)

# --- scband reference (transcript-rebuilt; emitter-appended) ---
"""Pipeline reference for scband-toxic-classifier-77506979823742 (READ-ONLY COPY).

The authoritative reference and input builder live on the scoring server;
editing this copy changes nothing except your own understanding.
"""

import jax, jax.numpy as jnp
import numpy as np

VOCAB = 1000000
EMB = 64
OUT = 6
B, L = 4096, 200

def setup_inputs(seed: int = 0) -> dict:
    key = jax.random.key(seed)
    k_src, k_tab, k_w1, k_b1, k_w2, k_b2 = jax.random.split(key, 6)
    src = jax.random.randint(k_src, (B, L), 0, VOCAB, dtype=jnp.int64 if jax.config.jax_enable_x64 else jnp.int32).astype(jnp.int32)
    table = jax.random.normal(k_tab, (VOCAB, EMB), dtype=jnp.float32) * 0.02
    W1 = jax.random.normal(k_w1, (EMB, EMB), dtype=jnp.float32) * (1.0 / np.sqrt(EMB))
    b1 = jnp.zeros((EMB,), dtype=jnp.float32)
    W2 = jax.random.normal(k_w2, (OUT, EMB), dtype=jnp.float32) * (1.0 / np.sqrt(EMB))
    b2 = jnp.zeros((OUT,), dtype=jnp.float32)
    return {"src": src, "table": table, "W1": W1, "b1": b1, "W2": W2, "b2": b2}

def reference(src, table, W1, b1, W2, b2):
    # embedding lookup (gather)
    emb = jnp.take(table, src, axis=0)              # [B, L, EMB]
    h = jnp.dot(emb, W1.T) + b1                     # linear1: EMB -> EMB
    out = jnp.dot(h, W2.T) + b2                     # linear2: EMB -> OUT
    out = jax.nn.elu(out)                           # ELU
    return out

if __name__ == "__main__":
    import jax
    _d = setup_inputs()
    print(jax.jit(kernel)(*tuple(_d.values())))

</pallas_src>

<mosaic_0001>
#map = affine_map<(d0, d1) -> (0, 0)>
#map1 = affine_map<(d0, d1) -> (0)>
module attributes {stable_mosaic.version = 14 : i64} {
  func.func @_gather_body(%arg0: i32, %arg1: i32, %arg2: memref<1000000x16xf32, #tpu.memory_space<hbm>>, %arg3: memref<819200xi32, #tpu.memory_space<hbm>>, %arg4: memref<819200x16xf32, #tpu.memory_space<hbm>>, %arg5: memref<3200xi32, #tpu.memory_space<vmem>>, %arg6: memref<3200x16xf32, #tpu.memory_space<vmem>>, %arg7: memref<!tpu.dma_semaphore, #tpu.memory_space<semaphore_mem>>) attributes {dimension_semantics = [#tpu.dimension_semantics<core_parallel>, #tpu.dimension_semantics<subcore_parallel>], iteration_bounds = array<i64: 2, 16>, scalar_prefetch = 0 : i64, scratch_operands = 3 : i64, tpu.core_type = #tpu.core_type<sc_vector_subcore>, window_params = [{transform_indices = #map}, {transform_indices = #map1}, {transform_indices = #map}]} {
    %mul3A = arith.constant 2 : i32
    %mul3A_0 = arith.muli %arg1, %mul3A : i32
    %add3A = arith.addi %mul3A_0, %arg0 : i32
    %mul3A_1 = arith.constant 25600 : i32
    %mul3A_2 = arith.muli %add3A, %mul3A_1 : i32
    %add3A_3 = arith.constant 0 : i32
    %add3A_4 = arith.addi %mul3A_2, %add3A_3 : i32
    "tpu.region"() ({
      %run_scoped3A = tpu.sem_alloc : memref<!tpu.dma_semaphore, #tpu.memory_space<semaphore_mem>>
      %dma_start3A_65 = tpu.memref_slice %arg3[%add3A_4] : memref<819200xi32, #tpu.memory_space<hbm>> -> memref<3200xi32, #tpu.memory_space<hbm>>
      %dma_start3A_66 = tpu.memref_slice %arg3[%add3A_4] : memref<819200xi32, #tpu.memory_space<hbm>> -> memref<3200xi32, #tpu.memory_space<hbm>>
      tpu.enqueue_dma source(%dma_start3A_66 : memref<3200xi32, #tpu.memory_space<hbm>>) target(%arg5 : memref<3200xi32, #tpu.memory_space<vmem>>) target_semaphore(%run_scoped3A : memref<!tpu.dma_semaphore, #tpu.memory_space<semaphore_mem>>)
      %dma_wait3A_67 = tpu.memref_slice %arg3[%add3A_4] : memref<819200xi32, #tpu.memory_space<hbm>> -> memref<3200xi32, #tpu.memory_space<hbm>>
      %dma_wait3A_68 = tpu.memref_slice %arg3[%add3A_4] : memref<819200xi32, #tpu.memory_space<hbm>> -> memref<3200xi32, #tpu.memory_space<hbm>>
      tpu.wait_dma2 semaphore(%run_scoped3A : memref<!tpu.dma_semaphore, #tpu.memory_space<semaphore_mem>>) src(%dma_wait3A_68 : memref<3200xi32, #tpu.memory_space<hbm>>) dst(%arg5 : memref<3200xi32, #tpu.memory_space<vmem>>)
      tpu.yield
    }) : () -> ()
    %dma_start3A = arith.constant 0 : i32
    %dma_start3A_5 = arith.constant 0 : i32
    %dma_start3A_6 = tpu.memref_slice %arg2[%dma_start3A, %dma_start3A_5] : memref<1000000x16xf32, #tpu.memory_space<hbm>> -> memref<1000000x16xf32, #tpu.memory_space<hbm>>
    tpu.enqueue_indirect_dma source(%dma_start3A_6 : memref<1000000x16xf32, #tpu.memory_space<hbm>>) target(%arg6 : memref<3200x16xf32, #tpu.memory_space<vmem>>) offsets(%arg5 : memref<3200xi32, #tpu.memory_space<vmem>>) semaphore(%arg7 : memref<!tpu.dma_semaphore, #tpu.memory_space<semaphore_mem>>)
    %dma_wait3A = arith.constant 0 : i32
    %dma_wait3A_7 = arith.constant 0 : i32
    %dma_wait3A_8 = tpu.memref_slice %arg2[%dma_wait3A, %dma_wait3A_7] : memref<1000000x16xf32, #tpu.memory_space<hbm>> -> memref<1000000x16xf32, #tpu.memory_space<hbm>>
    tpu.wait_indirect_dma semaphore(%arg7 : memref<!tpu.dma_semaphore, #tpu.memory_space<semaphore_mem>>) src(%dma_wait3A_8 : memref<1000000x16xf32, #tpu.memory_space<hbm>>) dst(%arg6 : memref<3200x16xf32, #tpu.memory_space<vmem>>)
    "tpu.region"() ({
      %run_scoped3A = tpu.sem_alloc : memref<!tpu.dma_semaphore, #tpu.memory_space<semaphore_mem>>
      %dma_start3A_65 = arith.constant 0 : i32
      %dma_start3A_66 = tpu.memref_slice %arg4[%add3A_4, %dma_start3A_65] : memref<819200x16xf32, #tpu.memory_space<hbm>> -> memref<3200x16xf32, #tpu.memory_space<hbm>>
      %dma_start3A_67 = arith.constant 0 : i32
      %dma_start3A_68 = tpu.memref_slice %arg4[%add3A_4, %dma_start3A_67] : memref<819200x16xf32, #tpu.memory_space<hbm>> -> memref<3200x16xf32, #tpu.memory_space<hbm>>
      tpu.enqueue_dma source(%arg6 : memref<3200x16xf32, #tpu.memory_space<vmem>>) target(%dma_start3A_68 : memref<3200x16xf32, #tpu.memory_space<hbm>>) target_semaphore(%run_scoped3A : memref<!tpu.dma_semaphore, #tpu.memory_space<semaphore_mem>>)
      %dma_wait3A_69 = arith.constant 0 : i32
      %dma_wait3A_70 = tpu.memref_slice %arg4[%add3A_4, %dma_wait3A_69] : memref<819200x16xf32, #tpu.memory_space<hbm>> -> memref<3200x16xf32, #tpu.memory_space<hbm>>
      %dma_wait3A_71 = arith.constant 0 : i32
      %dma_wait3A_72 = tpu.memref_slice %arg4[%add3A_4, %dma_wait3A_71] : memref<819200x16xf32, #tpu.memory_space<hbm>> -> memref<3200x16xf32, #tpu.memory_space<hbm>>
      tpu.wait_dma2 semaphore(%run_scoped3A : memref<!tpu.dma_semaphore, #tpu.memory_space<semaphore_mem>>) src(%arg6 : memref<3200x16xf32, #tpu.memory_space<vmem>>) dst(%dma_wait3A_72 : memref<3200x16xf32, #tpu.memory_space<hbm>>)
      tpu.yield
    }) : () -> ()
    %add3A_9 = arith.constant 3200 : i32
    %add3A_10 = arith.addi %mul3A_2, %add3A_9 : i32
    "tpu.region"() ({
      %run_scoped3A = tpu.sem_alloc : memref<!tpu.dma_semaphore, #tpu.memory_space<semaphore_mem>>
      %dma_start3A_65 = tpu.memref_slice %arg3[%add3A_10] : memref<819200xi32, #tpu.memory_space<hbm>> -> memref<3200xi32, #tpu.memory_space<hbm>>
      %dma_start3A_66 = tpu.memref_slice %arg3[%add3A_10] : memref<819200xi32, #tpu.memory_space<hbm>> -> memref<3200xi32, #tpu.memory_space<hbm>>
      tpu.enqueue_dma source(%dma_start3A_66 : memref<3200xi32, #tpu.memory_space<hbm>>) target(%arg5 : memref<3200xi32, #tpu.memory_space<vmem>>) target_semaphore(%run_scoped3A : memref<!tpu.dma_semaphore, #tpu.memory_space<semaphore_mem>>)
      %dma_wait3A_67 = tpu.memref_slice %arg3[%add3A_10] : memref<819200xi32, #tpu.memory_space<hbm>> -> memref<3200xi32, #tpu.memory_space<hbm>>
      %dma_wait3A_68 = tpu.memref_slice %arg3[%add3A_10] : memref<819200xi32, #tpu.memory_space<hbm>> -> memref<3200xi32, #tpu.memory_space<hbm>>
      tpu.wait_dma2 semaphore(%run_scoped3A : memref<!tpu.dma_semaphore, #tpu.memory_space<semaphore_mem>>) src(%dma_wait3A_68 : memref<3200xi32, #tpu.memory_space<hbm>>) dst(%arg5 : memref<3200xi32, #tpu.memory_space<vmem>>)
      tpu.yield
    }) : () -> ()
    %dma_start3A_11 = arith.constant 0 : i32
    %dma_start3A_12 = arith.constant 0 : i32
    %dma_start3A_13 = tpu.memref_slice %arg2[%dma_start3A_11, %dma_start3A_12] : memref<1000000x16xf32, #tpu.memory_space<hbm>> -> memref<1000000x16xf32, #tpu.memory_space<hbm>>
    tpu.enqueue_indirect_dma source(%dma_start3A_13 : memref<1000000x16xf32, #tpu.memory_space<hbm>>) target(%arg6 : memref<3200x16xf32, #tpu.memory_space<vmem>>) offsets(%arg5 : memref<3200xi32, #tpu.memory_space<vmem>>) semaphore(%arg7 : memref<!tpu.dma_semaphore, #tpu.memory_space<semaphore_mem>>)
    %dma_wait3A_14 = arith.constant 0 : i32
    %dma_wait3A_15 = arith.constant 0 : i32
    %dma_wait3A_16 = tpu.memref_slice %arg2[%dma_wait3A_14, %dma_wait3A_15] : memref<1000000x16xf32, #tpu.memory_space<hbm>> -> memref<1000000x16xf32, #tpu.memory_space<hbm>>
    tpu.wait_indirect_dma semaphore(%arg7 : memref<!tpu.dma_semaphore, #tpu.memory_space<semaphore_mem>>) src(%dma_wait3A_16 : memref<1000000x16xf32, #tpu.memory_space<hbm>>) dst(%arg6 : memref<3200x16xf32, #tpu.memory_space<vmem>>)
    "tpu.region"() ({
      %run_scoped3A = tpu.sem_alloc : memref<!tpu.dma_semaphore, #tpu.memory_space<semaphore_mem>>
      %dma_start3A_65 = arith.constant 0 : i32
      %dma_start3A_66 = tpu.memref_slice %arg4[%add3A_10, %dma_start3A_65] : memref<819200x16xf32, #tpu.memory_space<hbm>> -> memref<3200x16xf32, #tpu.memory_space<hbm>>
      %dma_start3A_67 = arith.constant 0 : i32
      %dma_start3A_68 = tpu.memref_slice %arg4[%add3A_10, %dma_start3A_67] : memref<819200x16xf32, #tpu.memory_space<hbm>> -> memref<3200x16xf32, #tpu.memory_space<hbm>>
      tpu.enqueue_dma source(%arg6 : memref<3200x16xf32, #tpu.memory_space<vmem>>) target(%dma_start3A_68 : memref<3200x16xf32, #tpu.memory_space<hbm>>) target_semaphore(%run_scoped3A : memref<!tpu.dma_semaphore, #tpu.memory_space<semaphore_mem>>)
      %dma_wait3A_69 = arith.constant 0 : i32
      %dma_wait3A_70 = tpu.memref_slice %arg4[%add3A_10, %dma_wait3A_69] : memref<819200x16xf32, #tpu.memory_space<hbm>> -> memref<3200x16xf32, #tpu.memory_space<hbm>>
      %dma_wait3A_71 = arith.constant 0 : i32
      %dma_wait3A_72 = tpu.memref_slice %arg4[%add3A_10, %dma_wait3A_71] : memref<819200x16xf32, #tpu.memory_space<hbm>> -> memref<3200x16xf32, #tpu.memory_space<hbm>>
      tpu.wait_dma2 semaphore(%run_scoped3A : memref<!tpu.dma_semaphore, #tpu.memory_space<semaphore_mem>>) src(%arg6 : memref<3200x16xf32, #tpu.memory_space<vmem>>) dst(%dma_wait3A_72 : memref<3200x16xf32, #tpu.memory_space<hbm>>)
      tpu.yield
    }) : () -> ()
    %add3A_17 = arith.constant 6400 : i32
    %add3A_18 = arith.addi %mul3A_2, %add3A_17 : i32
    "tpu.region"() ({
      %run_scoped3A = tpu.sem_alloc : memref<!tpu.dma_semaphore, #tpu.memory_space<semaphore_mem>>
      %dma_start3A_65 = tpu.memref_slice %arg3[%add3A_18] : memref<819200xi32, #tpu.memory_space<hbm>> -> memref<3200xi32, #tpu.memory_space<hbm>>
      %dma_start3A_66 = tpu.memref_slice %arg3[%add3A_18] : memref<819200xi32, #tpu.memory_space<hbm>> -> memref<3200xi32, #tpu.memory_space<hbm>>
      tpu.enqueue_dma source(%dma_start3A_66 : memref<3200xi32, #tpu.memory_space<hbm>>) target(%arg5 : memref<3200xi32, #tpu.memory_space<vmem>>) target_semaphore(%run_scoped3A : memref<!tpu.dma_semaphore, #tpu.memory_space<semaphore_mem>>)
      %dma_wait3A_67 = tpu.memref_slice %arg3[%add3A_18] : memref<819200xi32, #tpu.memory_space<hbm>> -> memref<3200xi32, #tpu.memory_space<hbm>>
      %dma_wait3A_68 = tpu.memref_slice %arg3[%add3A_18] : memref<819200xi32, #tpu.memory_space<hbm>> -> memref<3200xi32, #tpu.memory_space<hbm>>
      tpu.wait_dma2 semaphore(%run_scoped3A : memref<!tpu.dma_semaphore, #tpu.memory_space<semaphore_mem>>) src(%dma_wait3A_68 : memref<3200xi32, #tpu.memory_space<hbm>>) dst(%arg5 : memref<3200xi32, #tpu.memory_space<vmem>>)
      tpu.yield
    }) : () -> ()
    %dma_start3A_19 = arith.constant 0 : i32
    %dma_start3A_20 = arith.constant 0 : i32
    %dma_start3A_21 = tpu.memref_slice %arg2[%dma_start3A_19, %dma_start3A_20] : memref<1000000x16xf32, #tpu.memory_space<hbm>> -> memref<1000000x16xf32, #tpu.memory_space<hbm>>
    tpu.enqueue_indirect_dma source(%dma_start3A_21 : memref<1000000x16xf32, #tpu.memory_space<hbm>>) target(%arg6 : memref<3200x16xf32, #tpu.memory_space<vmem>>) offsets(%arg5 : memref<3200xi32, #tpu.memory_space<vmem>>) semaphore(%arg7 : memref<!tpu.dma_semaphore, #tpu.memory_space<semaphore_mem>>)
    %dma_wait3A_22 = arith.constant 0 : i32
    %dma_wait3A_23 = arith.constant 0 : i32
    %dma_wait3A_24 = tpu.memref_slice %arg2[%dma_wait3A_22, %dma_wait3A_23] : memref<1000000x16xf32, #tpu.memory_space<hbm>> -> memref<1000000x16xf32, #tpu.memory_space<hbm>>
    tpu.wait_indirect_dma semaphore(%arg7 : memref<!tpu.dma_semaphore, #tpu.memory_space<semaphore_mem>>) src(%dma_wait3A_24 : memref<1000000x16xf32, #tpu.memory_space<hbm>>) dst(%arg6 : memref<3200x16xf32, #tpu.memory_space<vmem>>)
    "tpu.region"() ({
      %run_scoped3A = tpu.sem_alloc : memref<!tpu.dma_semaphore, #tpu.memory_space<semaphore_mem>>
      %dma_start3A_65 = arith.constant 0 : i32
      %dma_start3A_66 = tpu.memref_slice %arg4[%add3A_18, %dma_start3A_65] : memref<819200x16xf32, #tpu.memory_space<hbm>> -> memref<3200x16xf32, #tpu.memory_space<hbm>>
      %dma_start3A_67 = arith.constant 0 : i32
      %dma_start3A_68 = tpu.memref_slice %arg4[%add3A_18, %dma_start3A_67] : memref<819200x16xf32, #tpu.memory_space<hbm>> -> memref<3200x16xf32, #tpu.memory_space<hbm>>
      tpu.enqueue_dma source(%arg6 : memref<3200x16xf32, #tpu.memory_space<vmem>>) target(%dma_start3A_68 : memref<3200x16xf32, #tpu.memory_space<hbm>>) target_semaphore(%run_scoped3A : memref<!tpu.dma_semaphore, #tpu.memory_space<semaphore_mem>>)
      %dma_wait3A_69 = arith.constant 0 : i32
      %dma_wait3A_70 = tpu.memref_slice %arg4[%add3A_18, %dma_wait3A_69] : memref<819200x16xf32, #tpu.memory_space<hbm>> -> memref<3200x16xf32, #tpu.memory_space<hbm>>
      %dma_wait3A_71 = arith.constant 0 : i32
      %dma_wait3A_72 = tpu.memref_slice %arg4[%add3A_18, %dma_wait3A_71] : memref<819200x16xf32, #tpu.memory_space<hbm>> -> memref<3200x16xf32, #tpu.memory_space<hbm>>
      tpu.wait_dma2 semaphore(%run_scoped3A : memref<!tpu.dma_semaphore, #tpu.memory_space<semaphore_mem>>) src(%arg6 : memref<3200x16xf32, #tpu.memory_space<vmem>>) dst(%dma_wait3A_72 : memref<3200x16xf32, #tpu.memory_space<hbm>>)
      tpu.yield
    }) : () -> ()
    %add3A_25 = arith.constant 9600 : i32
    %add3A_26 = arith.addi %mul3A_2, %add3A_25 : i32
    "tpu.region"() ({
      %run_scoped3A = tpu.sem_alloc : memref<!tpu.dma_semaphore, #tpu.memory_space<semaphore_mem>>
      %dma_start3A_65 = tpu.memref_slice %arg3[%add3A_26] : memref<819200xi32, #tpu.memory_space<hbm>> -> memref<3200xi32, #tpu.memory_space<hbm>>
      %dma_start3A_66 = tpu.memref_slice %arg3[%add3A_26] : memref<819200xi32, #tpu.memory_space<hbm>> -> memref<3200xi32, #tpu.memory_space<hbm>>
      tpu.enqueue_dma source(%dma_start3A_66 : memref<3200xi32, #tpu.memory_space<hbm>>) target(%arg5 : memref<3200xi32, #tpu.memory_space<vmem>>) target_semaphore(%run_scoped3A : memref<!tpu.dma_semaphore, #tpu.memory_space<semaphore_mem>>)
      %dma_wait3A_67 = tpu.memref_slice %arg3[%add3A_26] : memref<819200xi32, #tpu.memory_space<hbm>> -> memref<3200xi32, #tpu.memory_space<hbm>>
      %dma_wait3A_68 = tpu.memref_slice %arg3[%add3A_26] : memref<819200xi32, #tpu.memory_space<hbm>> -> memref<3200xi32, #tpu.memory_space<hbm>>
      tpu.wait_dma2 semaphore(%run_scoped3A : memref<!tpu.dma_semaphore, #tpu.memory_space<semaphore_mem>>) src(%dma_wait3A_68 : memref<3200xi32, #tpu.memory_space<hbm>>) dst(%arg5 : memref<3200xi32, #tpu.memory_space<vmem>>)
      tpu.yield
    }) : () -> ()
    %dma_start3A_27 = arith.constant 0 : i32
    %dma_start3A_28 = arith.constant 0 : i32
    %dma_start3A_29 = tpu.memref_slice %arg2[%dma_start3A_27, %dma_start3A_28] : memref<1000000x16xf32, #tpu.memory_space<hbm>> -> memref<1000000x16xf32, #tpu.memory_space<hbm>>
    tpu.enqueue_indirect_dma source(%dma_start3A_29 : memref<1000000x16xf32, #tpu.memory_space<hbm>>) target(%arg6 : memref<3200x16xf32, #tpu.memory_space<vmem>>) offsets(%arg5 : memref<3200xi32, #tpu.memory_space<vmem>>) semaphore(%arg7 : memref<!tpu.dma_semaphore, #tpu.memory_space<semaphore_mem>>)
    %dma_wait3A_30 = arith.constant 0 : i32
    %dma_wait3A_31 = arith.constant 0 : i32
    %dma_wait3A_32 = tpu.memref_slice %arg2[%dma_wait3A_30, %dma_wait3A_31] : memref<1000000x16xf32, #tpu.memory_space<hbm>> -> memref<1000000x16xf32, #tpu.memory_space<hbm>>
    tpu.wait_indirect_dma semaphore(%arg7 : memref<!tpu.dma_semaphore, #tpu.memory_space<semaphore_mem>>) src(%dma_wait3A_32 : memref<1000000x16xf32, #tpu.memory_space<hbm>>) dst(%arg6 : memref<3200x16xf32, #tpu.memory_space<vmem>>)
    "tpu.region"() ({
      %run_scoped3A = tpu.sem_alloc : memref<!tpu.dma_semaphore, #tpu.memory_space<semaphore_mem>>
      %dma_start3A_65 = arith.constant 0 : i32
      %dma_start3A_66 = tpu.memref_slice %arg4[%add3A_26, %dma_start3A_65] : memref<819200x16xf32, #tpu.memory_space<hbm>> -> memref<3200x16xf32, #tpu.memory_space<hbm>>
      %dma_start3A_67 = arith.constant 0 : i32
      %dma_start3A_68 = tpu.memref_slice %arg4[%add3A_26, %dma_start3A_67] : memref<819200x16xf32, #tpu.memory_space<hbm>> -> memref<3200x16xf32, #tpu.memory_space<hbm>>
      tpu.enqueue_dma source(%arg6 : memref<3200x16xf32, #tpu.memory_space<vmem>>) target(%dma_start3A_68 : memref<3200x16xf32, #tpu.memory_space<hbm>>) target_semaphore(%run_scoped3A : memref<!tpu.dma_semaphore, #tpu.memory_space<semaphore_mem>>)
      %dma_wait3A_69 = arith.constant 0 : i32
      %dma_wait3A_70 = tpu.memref_slice %arg4[%add3A_26, %dma_wait3A_69] : memref<819200x16xf32, #tpu.memory_space<hbm>> -> memref<3200x16xf32, #tpu.memory_space<hbm>>
      %dma_wait3A_71 = arith.constant 0 : i32
      %dma_wait3A_72 = tpu.memref_slice %arg4[%add3A_26, %dma_wait3A_71] : memref<819200x16xf32, #tpu.memory_space<hbm>> -> memref<3200x16xf32, #tpu.memory_space<hbm>>
      tpu.wait_dma2 semaphore(%run_scoped3A : memref<!tpu.dma_semaphore, #tpu.memory_space<semaphore_mem>>) src(%arg6 : memref<3200x16xf32, #tpu.memory_space<vmem>>) dst(%dma_wait3A_72 : memref<3200x16xf32, #tpu.memory_space<hbm>>)
      tpu.yield
    }) : () -> ()
    %add3A_33 = arith.constant 12800 : i32
    %add3A_34 = arith.addi %mul3A_2, %add3A_33 : i32
    "tpu.region"() ({
      %run_scoped3A = tpu.sem_alloc : memref<!tpu.dma_semaphore, #tpu.memory_space<semaphore_mem>>
      %dma_start3A_65 = tpu.memref_slice %arg3[%add3A_34] : memref<819200xi32, #tpu.memory_space<hbm>> -> memref<3200xi32, #tpu.memory_space<hbm>>
      %dma_start3A_66 = tpu.memref_slice %arg3[%add3A_34] : memref<819200xi32, #tpu.memory_space<hbm>> -> memref<3200xi32, #tpu.memory_space<hbm>>
      tpu.enqueue_dma source(%dma_start3A_66 : memref<3200xi32, #tpu.memory_space<hbm>>) target(%arg5 : memref<3200xi32, #tpu.memory_space<vmem>>) target_semaphore(%run_scoped3A : memref<!tpu.dma_semaphore, #tpu.memory_space<semaphore_mem>>)
      %dma_wait3A_67 = tpu.memref_slice %arg3[%add3A_34] : memref<819200xi32, #tpu.memory_space<hbm>> -> memref<3200xi32, #tpu.memory_space<hbm>>
      %dma_wait3A_68 = tpu.memref_slice %arg3[%add3A_34] : memref<819200xi32, #tpu.memory_space<hbm>> -> memref<3200xi32, #tpu.memory_space<hbm>>
      tpu.wait_dma2 semaphore(%run_scoped3A : memref<!tpu.dma_semaphore, #tpu.memory_space<semaphore_mem>>) src(%dma_wait3A_68 : memref<3200xi32, #tpu.memory_space<hbm>>) dst(%arg5 : memref<3200xi32, #tpu.memory_space<vmem>>)
      tpu.yield
    }) : () -> ()
    %dma_start3A_35 = arith.constant 0 : i32
    %dma_start3A_36 = arith.constant 0 : i32
    %dma_start3A_37 = tpu.memref_slice %arg2[%dma_start3A_35, %dma_start3A_36] : memref<1000000x16xf32, #tpu.memory_space<hbm>> -> memref<1000000x16xf32, #tpu.memory_space<hbm>>
    tpu.enqueue_indirect_dma source(%dma_start3A_37 : memref<1000000x16xf32, #tpu.memory_space<hbm>>) target(%arg6 : memref<3200x16xf32, #tpu.memory_space<vmem>>) offsets(%arg5 : memref<3200xi32, #tpu.memory_space<vmem>>) semaphore(%arg7 : memref<!tpu.dma_semaphore, #tpu.memory_space<semaphore_mem>>)
    %dma_wait3A_38 = arith.constant 0 : i32
    %dma_wait3A_39 = arith.constant 0 : i32
    %dma_wait3A_40 = tpu.memref_slice %arg2[%dma_wait3A_38, %dma_wait3A_39] : memref<1000000x16xf32, #tpu.memory_space<hbm>> -> memref<1000000x16xf32, #tpu.memory_space<hbm>>
    tpu.wait_indirect_dma semaphore(%arg7 : memref<!tpu.dma_semaphore, #tpu.memory_space<semaphore_mem>>) src(%dma_wait3A_40 : memref<1000000x16xf32, #tpu.memory_space<hbm>>) dst(%arg6 : memref<3200x16xf32, #tpu.memory_space<vmem>>)
    "tpu.region"() ({
      %run_scoped3A = tpu.sem_alloc : memref<!tpu.dma_semaphore, #tpu.memory_space<semaphore_mem>>
      %dma_start3A_65 = arith.constant 0 : i32
      %dma_start3A_66 = tpu.memref_slice %arg4[%add3A_34, %dma_start3A_65] : memref<819200x16xf32, #tpu.memory_space<hbm>> -> memref<3200x16xf32, #tpu.memory_space<hbm>>
      %dma_start3A_67 = arith.constant 0 : i32
      %dma_start3A_68 = tpu.memref_slice %arg4[%add3A_34, %dma_start3A_67] : memref<819200x16xf32, #tpu.memory_space<hbm>> -> memref<3200x16xf32, #tpu.memory_space<hbm>>
      tpu.enqueue_dma source(%arg6 : memref<3200x16xf32, #tpu.memory_space<vmem>>) target(%dma_start3A_68 : memref<3200x16xf32, #tpu.memory_space<hbm>>) target_semaphore(%run_scoped3A : memref<!tpu.dma_semaphore, #tpu.memory_space<semaphore_mem>>)
      %dma_wait3A_69 = arith.constant 0 : i32
      %dma_wait3A_70 = tpu.memref_slice %arg4[%add3A_34, %dma_wait3A_69] : memref<819200x16xf32, #tpu.memory_space<hbm>> -> memref<3200x16xf32, #tpu.memory_space<hbm>>
      %dma_wait3A_71 = arith.constant 0 : i32
      %dma_wait3A_72 = tpu.memref_slice %arg4[%add3A_34, %dma_wait3A_71] : memref<819200x16xf32, #tpu.memory_space<hbm>> -> memref<3200x16xf32, #tpu.memory_space<hbm>>
      tpu.wait_dma2 semaphore(%run_scoped3A : memref<!tpu.dma_semaphore, #tpu.memory_space<semaphore_mem>>) src(%arg6 : memref<3200x16xf32, #tpu.memory_space<vmem>>) dst(%dma_wait3A_72 : memref<3200x16xf32, #tpu.memory_space<hbm>>)
      tpu.yield
    }) : () -> ()
    %add3A_41 = arith.constant 16000 : i32
    %add3A_42 = arith.addi %mul3A_2, %add3A_41 : i32
    "tpu.region"() ({
      %run_scoped3A = tpu.sem_alloc : memref<!tpu.dma_semaphore, #tpu.memory_space<semaphore_mem>>
      %dma_start3A_65 = tpu.memref_slice %arg3[%add3A_42] : memref<819200xi32, #tpu.memory_space<hbm>> -> memref<3200xi32, #tpu.memory_space<hbm>>
      %dma_start3A_66 = tpu.memref_slice %arg3[%add3A_42] : memref<819200xi32, #tpu.memory_space<hbm>> -> memref<3200xi32, #tpu.memory_space<hbm>>
      tpu.enqueue_dma source(%dma_start3A_66 : memref<3200xi32, #tpu.memory_space<hbm>>) target(%arg5 : memref<3200xi32, #tpu.memory_space<vmem>>) target_semaphore(%run_scoped3A : memref<!tpu.dma_semaphore, #tpu.memory_space<semaphore_mem>>)
      %dma_wait3A_67 = tpu.memref_slice %arg3[%add3A_42] : memref<819200xi32, #tpu.memory_space<hbm>> -> memref<3200xi32, #tpu.memory_space<hbm>>
      %dma_wait3A_68 = tpu.memref_slice %arg3[%add3A_42] : memref<819200xi32, #tpu.memory_space<hbm>> -> memref<3200xi32, #tpu.memory_space<hbm>>
      tpu.wait_dma2 semaphore(%run_scoped3A : memref<!tpu.dma_semaphore, #tpu.memory_space<semaphore_mem>>) src(%dma_wait3A_68 : memref<3200xi32, #tpu.memory_space<hbm>>) dst(%arg5 : memref<3200xi32, #tpu.memory_space<vmem>>)
      tpu.yield
    }) : () -> ()
    %dma_start3A_43 = arith.constant 0 : i32
    %dma_start3A_44 = arith.constant 0 : i32
    %dma_start3A_45 = tpu.memref_slice %arg2[%dma_start3A_43, %dma_start3A_44] : memref<1000000x16xf32, #tpu.memory_space<hbm>> -> memref<1000000x16xf32, #tpu.memory_space<hbm>>
    tpu.enqueue_indirect_dma source(%dma_start3A_45 : memref<1000000x16xf32, #tpu.memory_space<hbm>>) target(%arg6 : memref<3200x16xf32, #tpu.memory_space<vmem>>) offsets(%arg5 : memref<3200xi32, #tpu.memory_space<vmem>>) semaphore(%arg7 : memref<!tpu.dma_semaphore, #tpu.memory_space<semaphore_mem>>)
    %dma_wait3A_46 = arith.constant 0 : i32
    %dma_wait3A_47 = arith.constant 0 : i32
    %dma_wait3A_48 = tpu.memref_slice %arg2[%dma_wait3A_46, %dma_wait3A_47] : memref<1000000x16xf32, #tpu.memory_space<hbm>> -> memref<1000000x16xf32, #tpu.memory_space<hbm>>
    tpu.wait_indirect_dma semaphore(%arg7 : memref<!tpu.dma_semaphore, #tpu.memory_space<semaphore_mem>>) src(%dma_wait3A_48 : memref<1000000x16xf32, #tpu.memory_space<hbm>>) dst(%arg6 : memref<3200x16xf32, #tpu.memory_space<vmem>>)
    "tpu.region"() ({
      %run_scoped3A = tpu.sem_alloc : memref<!tpu.dma_semaphore, #tpu.memory_space<semaphore_mem>>
      %dma_start3A_65 = arith.constant 0 : i32
      %dma_start3A_66 = tpu.memref_slice %arg4[%add3A_42, %dma_start3A_65] : memref<819200x16xf32, #tpu.memory_space<hbm>> -> memref<3200x16xf32, #tpu.memory_space<hbm>>
      %dma_start3A_67 = arith.constant 0 : i32
      %dma_start3A_68 = tpu.memref_slice %arg4[%add3A_42, %dma_start3A_67] : memref<819200x16xf32, #tpu.memory_space<hbm>> -> memref<3200x16xf32, #tpu.memory_space<hbm>>
      tpu.enqueue_dma source(%arg6 : memref<3200x16xf32, #tpu.memory_space<vmem>>) target(%dma_start3A_68 : memref<3200x16xf32, #tpu.memory_space<hbm>>) target_semaphore(%run_scoped3A : memref<!tpu.dma_semaphore, #tpu.memory_space<semaphore_mem>>)
      %dma_wait3A_69 = arith.constant 0 : i32
      %dma_wait3A_70 = tpu.memref_slice %arg4[%add3A_42, %dma_wait3A_69] : memref<819200x16xf32, #tpu.memory_space<hbm>> -> memref<3200x16xf32, #tpu.memory_space<hbm>>
      %dma_wait3A_71 = arith.constant 0 : i32
      %dma_wait3A_72 = tpu.memref_slice %arg4[%add3A_42, %dma_wait3A_71] : memref<819200x16xf32, #tpu.memory_space<hbm>> -> memref<3200x16xf32, #tpu.memory_space<hbm>>
      tpu.wait_dma2 semaphore(%run_scoped3A : memref<!tpu.dma_semaphore, #tpu.memory_space<semaphore_mem>>) src(%arg6 : memref<3200x16xf32, #tpu.memory_space<vmem>>) dst(%dma_wait3A_72 : memref<3200x16xf32, #tpu.memory_space<hbm>>)
      tpu.yield
    }) : () -> ()
    %add3A_49 = arith.constant 19200 : i32
    %add3A_50 = arith.addi %mul3A_2, %add3A_49 : i32
    "tpu.region"() ({
      %run_scoped3A = tpu.sem_alloc : memref<!tpu.dma_semaphore, #tpu.memory_space<semaphore_mem>>
      %dma_start3A_65 = tpu.memref_slice %arg3[%add3A_50] : memref<819200xi32, #tpu.memory_space<hbm>> -> memref<3200xi32, #tpu.memory_space<hbm>>
      %dma_start3A_66 = tpu.memref_slice %arg3[%add3A_50] : memref<819200xi32, #tpu.memory_space<hbm>> -> memref<3200xi32, #tpu.memory_space<hbm>>
      tpu.enqueue_dma source(%dma_start3A_66 : memref<3200xi32, #tpu.memory_space<hbm>>) target(%arg5 : memref<3200xi32, #tpu.memory_space<vmem>>) target_semaphore(%run_scoped3A : memref<!tpu.dma_semaphore, #tpu.memory_space<semaphore_mem>>)
      %dma_wait3A_67 = tpu.memref_slice %arg3[%add3A_50] : memref<819200xi32, #tpu.memory_space<hbm>> -> memref<3200xi32, #tpu.memory_space<hbm>>
      %dma_wait3A_68 = tpu.memref_slice %arg3[%add3A_50] : memref<819200xi32, #tpu.memory_space<hbm>> -> memref<3200xi32, #tpu.memory_space<hbm>>
      tpu.wait_dma2 semaphore(%run_scoped3A : memref<!tpu.dma_semaphore, #tpu.memory_space<semaphore_mem>>) src(%dma_wait3A_68 : memref<3200xi32, #tpu.memory_space<hbm>>) dst(%arg5 : memref<3200xi32, #tpu.memory_space<vmem>>)
      tpu.yield
    }) : () -> ()
    %dma_start3A_51 = arith.constant 0 : i32
    %dma_start3A_52 = arith.constant 0 : i32
    %dma_start3A_53 = tpu.memref_slice %arg2[%dma_start3A_51, %dma_start3A_52] : memref<1000000x16xf32, #tpu.memory_space<hbm>> -> memref<1000000x16xf32, #tpu.memory_space<hbm>>
    tpu.enqueue_indirect_dma source(%dma_start3A_53 : memref<1000000x16xf32, #tpu.memory_space<hbm>>) target(%arg6 : memref<3200x16xf32, #tpu.memory_space<vmem>>) offsets(%arg5 : memref<3200xi32, #tpu.memory_space<vmem>>) semaphore(%arg7 : memref<!tpu.dma_semaphore, #tpu.memory_space<semaphore_mem>>)
    %dma_wait3A_54 = arith.constant 0 : i32
    %dma_wait3A_55 = arith.constant 0 : i32
    %dma_wait3A_56 = tpu.memref_slice %arg2[%dma_wait3A_54, %dma_wait3A_55] : memref<1000000x16xf32, #tpu.memory_space<hbm>> -> memref<1000000x16xf32, #tpu.memory_space<hbm>>
    tpu.wait_indirect_dma semaphore(%arg7 : memref<!tpu.dma_semaphore, #tpu.memory_space<semaphore_mem>>) src(%dma_wait3A_56 : memref<1000000x16xf32, #tpu.memory_space<hbm>>) dst(%arg6 : memref<3200x16xf32, #tpu.memory_space<vmem>>)
    "tpu.region"() ({
      %run_scoped3A = tpu.sem_alloc : memref<!tpu.dma_semaphore, #tpu.memory_space<semaphore_mem>>
      %dma_start3A_65 = arith.constant 0 : i32
      %dma_start3A_66 = tpu.memref_slice %arg4[%add3A_50, %dma_start3A_65] : memref<819200x16xf32, #tpu.memory_space<hbm>> -> memref<3200x16xf32, #tpu.memory_space<hbm>>
      %dma_start3A_67 = arith.constant 0 : i32
      %dma_start3A_68 = tpu.memref_slice %arg4[%add3A_50, %dma_start3A_67] : memref<819200x16xf32, #tpu.memory_space<hbm>> -> memref<3200x16xf32, #tpu.memory_space<hbm>>
      tpu.enqueue_dma source(%arg6 : memref<3200x16xf32, #tpu.memory_space<vmem>>) target(%dma_start3A_68 : memref<3200x16xf32, #tpu.memory_space<hbm>>) target_semaphore(%run_scoped3A : memref<!tpu.dma_semaphore, #tpu.memory_space<semaphore_mem>>)
      %dma_wait3A_69 = arith.constant 0 : i32
      %dma_wait3A_70 = tpu.memref_slice %arg4[%add3A_50, %dma_wait3A_69] : memref<819200x16xf32, #tpu.memory_space<hbm>> -> memref<3200x16xf32, #tpu.memory_space<hbm>>
      %dma_wait3A_71 = arith.constant 0 : i32
      %dma_wait3A_72 = tpu.memref_slice %arg4[%add3A_50, %dma_wait3A_71] : memref<819200x16xf32, #tpu.memory_space<hbm>> -> memref<3200x16xf32, #tpu.memory_space<hbm>>
      tpu.wait_dma2 semaphore(%run_scoped3A : memref<!tpu.dma_semaphore, #tpu.memory_space<semaphore_mem>>) src(%arg6 : memref<3200x16xf32, #tpu.memory_space<vmem>>) dst(%dma_wait3A_72 : memref<3200x16xf32, #tpu.memory_space<hbm>>)
      tpu.yield
    }) : () -> ()
    %add3A_57 = arith.constant 22400 : i32
    %add3A_58 = arith.addi %mul3A_2, %add3A_57 : i32
    "tpu.region"() ({
      %run_scoped3A = tpu.sem_alloc : memref<!tpu.dma_semaphore, #tpu.memory_space<semaphore_mem>>
      %dma_start3A_65 = tpu.memref_slice %arg3[%add3A_58] : memref<819200xi32, #tpu.memory_space<hbm>> -> memref<3200xi32, #tpu.memory_space<hbm>>
      %dma_start3A_66 = tpu.memref_slice %arg3[%add3A_58] : memref<819200xi32, #tpu.memory_space<hbm>> -> memref<3200xi32, #tpu.memory_space<hbm>>
      tpu.enqueue_dma source(%dma_start3A_66 : memref<3200xi32, #tpu.memory_space<hbm>>) target(%arg5 : memref<3200xi32, #tpu.memory_space<vmem>>) target_semaphore(%run_scoped3A : memref<!tpu.dma_semaphore, #tpu.memory_space<semaphore_mem>>)
      %dma_wait3A_67 = tpu.memref_slice %arg3[%add3A_58] : memref<819200xi32, #tpu.memory_space<hbm>> -> memref<3200xi32, #tpu.memory_space<hbm>>
      %dma_wait3A_68 = tpu.memref_slice %arg3[%add3A_58] : memref<819200xi32, #tpu.memory_space<hbm>> -> memref<3200xi32, #tpu.memory_space<hbm>>
      tpu.wait_dma2 semaphore(%run_scoped3A : memref<!tpu.dma_semaphore, #tpu.memory_space<semaphore_mem>>) src(%dma_wait3A_68 : memref<3200xi32, #tpu.memory_space<hbm>>) dst(%arg5 : memref<3200xi32, #tpu.memory_space<vmem>>)
      tpu.yield
    }) : () -> ()
    %dma_start3A_59 = arith.constant 0 : i32
    %dma_start3A_60 = arith.constant 0 : i32
    %dma_start3A_61 = tpu.memref_slice %arg2[%dma_start3A_59, %dma_start3A_60] : memref<1000000x16xf32, #tpu.memory_space<hbm>> -> memref<1000000x16xf32, #tpu.memory_space<hbm>>
    tpu.enqueue_indirect_dma source(%dma_start3A_61 : memref<1000000x16xf32, #tpu.memory_space<hbm>>) target(%arg6 : memref<3200x16xf32, #tpu.memory_space<vmem>>) offsets(%arg5 : memref<3200xi32, #tpu.memory_space<vmem>>) semaphore(%arg7 : memref<!tpu.dma_semaphore, #tpu.memory_space<semaphore_mem>>)
    %dma_wait3A_62 = arith.constant 0 : i32
    %dma_wait3A_63 = arith.constant 0 : i32
    %dma_wait3A_64 = tpu.memref_slice %arg2[%dma_wait3A_62, %dma_wait3A_63] : memref<1000000x16xf32, #tpu.memory_space<hbm>> -> memref<1000000x16xf32, #tpu.memory_space<hbm>>
    tpu.wait_indirect_dma semaphore(%arg7 : memref<!tpu.dma_semaphore, #tpu.memory_space<semaphore_mem>>) src(%dma_wait3A_64 : memref<1000000x16xf32, #tpu.memory_space<hbm>>) dst(%arg6 : memref<3200x16xf32, #tpu.memory_space<vmem>>)
    "tpu.region"() ({
      %run_scoped3A = tpu.sem_alloc : memref<!tpu.dma_semaphore, #tpu.memory_space<semaphore_mem>>
      %dma_start3A_65 = arith.constant 0 : i32
      %dma_start3A_66 = tpu.memref_slice %arg4[%add3A_58, %dma_start3A_65] : memref<819200x16xf32, #tpu.memory_space<hbm>> -> memref<3200x16xf32, #tpu.memory_space<hbm>>
      %dma_start3A_67 = arith.constant 0 : i32
      %dma_start3A_68 = tpu.memref_slice %arg4[%add3A_58, %dma_start3A_67] : memref<819200x16xf32, #tpu.memory_space<hbm>> -> memref<3200x16xf32, #tpu.memory_space<hbm>>
      tpu.enqueue_dma source(%arg6 : memref<3200x16xf32, #tpu.memory_space<vmem>>) target(%dma_start3A_68 : memref<3200x16xf32, #tpu.memory_space<hbm>>) target_semaphore(%run_scoped3A : memref<!tpu.dma_semaphore, #tpu.memory_space<semaphore_mem>>)
      %dma_wait3A_69 = arith.constant 0 : i32
      %dma_wait3A_70 = tpu.memref_slice %arg4[%add3A_58, %dma_wait3A_69] : memref<819200x16xf32, #tpu.memory_space<hbm>> -> memref<3200x16xf32, #tpu.memory_space<hbm>>
      %dma_wait3A_71 = arith.constant 0 : i32
      %dma_wait3A_72 = tpu.memref_slice %arg4[%add3A_58, %dma_wait3A_71] : memref<819200x16xf32, #tpu.memory_space<hbm>> -> memref<3200x16xf32, #tpu.memory_space<hbm>>
      tpu.wait_dma2 semaphore(%run_scoped3A : memref<!tpu.dma_semaphore, #tpu.memory_space<semaphore_mem>>) src(%arg6 : memref<3200x16xf32, #tpu.memory_space<vmem>>) dst(%dma_wait3A_72 : memref<3200x16xf32, #tpu.memory_space<hbm>>)
      tpu.yield
    }) : () -> ()
    return
  }
}

module attributes {stable_mosaic.version = 14 : i64} {
  func.func @_mlp_body(%arg0: i32, %arg1: memref<64x1000000xf32, #tpu.memory_space<any>>, %arg2: memref<64x16xf32, #tpu.memory_space<vmem>>, %arg3: memref<1x16xf32, #tpu.memory_space<vmem>>, %arg4: memref<2976x128xf32, #tpu.memory_space<vmem>>, %arg5: memref<3x64x23808xf32, #tpu.memory_space<vmem>>, %arg6: memref<3x!tpu.dma_semaphore, #tpu.memory_space<semaphore_mem>>) attributes {dimension_semantics = [#tpu.dimension_semantics<arbitrary>], iteration_bounds = array<i64: 42>, scalar_prefetch = 0 : i64, scratch_operands = 2 : i64, tpu.core_type = #tpu.core_type<tc>, window_params = [{}, {pipeline_mode = #tpu.pipeline_mode<synchronous>, transform_indices = @transform_1, window_bounds = array<i64: 64, 16>}, {pipeline_mode = #tpu.pipeline_mode<synchronous>, transform_indices = @transform_2, window_bounds = array<i64: 1, 16>}, {transform_indices = @transform_3, window_bounds = array<i64: 2976, 128>}]} {
    %eq3A = arith.constant 0 : i32
    %eq3A_0 = arith.cmpi eq, %arg0, %eq3A : i32
    %convert_element_type3A = arith.extui %eq3A_0 : i1 to i32
    %cond3A = arith.constant 0 : i32
    %cond3A_1 = arith.cmpi ne, %convert_element_type3A, %cond3A : i32
    scf.if %cond3A_1 {
      %dma_start3A = arith.constant 0 : i32
      %dma_start3A_175 = arith.constant 0 : i32
      %dma_start3A_176 = tpu.memref_slice %arg6[%dma_start3A_175] : memref<3x!tpu.dma_semaphore, #tpu.memory_space<semaphore_mem>> -> memref<1x!tpu.dma_semaphore, #tpu.memory_space<semaphore_mem>>
      %dma_start3A_177 = tpu.memref_squeeze %dma_start3A_176 : memref<1x!tpu.dma_semaphore, #tpu.memory_space<semaphore_mem>> -> memref<!tpu.dma_semaphore, #tpu.memory_space<semaphore_mem>>
      %dma_start3A_178 = arith.constant 0 : i32
      %dma_start3A_179 = arith.constant 0 : i32
      %dma_start3A_180 = tpu.memref_slice %arg5[%dma_start3A, %dma_start3A_178, %dma_start3A_179] : memref<3x64x23808xf32, #tpu.memory_space<vmem>> -> memref<1x64x23808xf32, #tpu.memory_space<vmem>>
      %dma_start3A_181 = tpu.memref_squeeze %dma_start3A_180 : memref<1x64x23808xf32, #tpu.memory_space<vmem>> -> memref<64x23808xf32, #tpu.memory_space<vmem>>
      %dma_start3A_182 = arith.constant 0 : i32
      %dma_start3A_183 = arith.constant 0 : i32
      %dma_start3A_184 = tpu.memref_slice %arg1[%dma_start3A_182, %dma_start3A_183] : memref<64x1000000xf32, #tpu.memory_space<any>> -> memref<64x23808xf32, #tpu.memory_space<any>>
      tpu.enqueue_dma source(%dma_start3A_184 : memref<64x23808xf32, #tpu.memory_space<any>>) target(%dma_start3A_181 : memref<64x23808xf32, #tpu.memory_space<vmem>>) target_semaphore(%dma_start3A_177 : memref<!tpu.dma_semaphore, #tpu.memory_space<semaphore_mem>>)
      %dma_start3A_185 = arith.constant 1 : i32
      %dma_start3A_186 = arith.constant 1 : i32
      %dma_start3A_187 = tpu.memref_slice %arg6[%dma_start3A_186] : memref<3x!tpu.dma_semaphore, #tpu.memory_space<semaphore_mem>> -> memref<1x!tpu.dma_semaphore, #tpu.memory_space<semaphore_mem>>
      %dma_start3A_188 = tpu.memref_squeeze %dma_start3A_187 : memref<1x!tpu.dma_semaphore, #tpu.memory_space<semaphore_mem>> -> memref<!tpu.dma_semaphore, #tpu.memory_space<semaphore_mem>>
      %dma_start3A_189 = arith.constant 0 : i32
      %dma_start3A_190 = arith.constant 0 : i32
      %dma_start3A_191 = tpu.memref_slice %arg5[%dma_start3A_185, %dma_start3A_189, %dma_start3A_190] : memref<3x64x23808xf32, #tpu.memory_space<vmem>> -> memref<1x64x23808xf32, #tpu.memory_space<vmem>>
      %dma_start3A_192 = tpu.memref_squeeze %dma_start3A_191 : memref<1x64x23808xf32, #tpu.memory_space<vmem>> -> memref<64x23808xf32, #tpu.memory_space<vmem>>
      %dma_start3A_193 = arith.constant 0 : i32
      %dma_start3A_194 = arith.constant 23808 : i32
      %dma_start3A_195 = tpu.memref_slice %arg1[%dma_start3A_193, %dma_start3A_194] : memref<64x1000000xf32, #tpu.memory_space<any>> -> memref<64x23808xf32, #tpu.memory_space<any>>
      tpu.enqueue_dma source(%dma_start3A_195 : memref<64x23808xf32, #tpu.memory_space<any>>) target(%dma_start3A_192 : memref<64x23808xf32, #tpu.memory_space<vmem>>) target_semaphore(%dma_start3A_188 : memref<!tpu.dma_semaphore, #tpu.memory_space<semaphore_mem>>)
    } else {
    }
    %add3A = arith.constant 2 : i32
    %add3A_2 = arith.addi %arg0, %add3A : i32
    %le3A = arith.constant 41 : i32
    %le3A_3 = arith.cmpi sle, %add3A_2, %le3A : i32
    %convert_element_type3A_4 = arith.extui %le3A_3 : i1 to i32
    %cond3A_5 = arith.constant 0 : i32
    %cond3A_6 = arith.cmpi ne, %convert_element_type3A_4, %cond3A_5 : i32
    scf.if %cond3A_6 {
      %add3A_175 = arith.constant 2 : i32
      %add3A_176 = arith.addi %arg0, %add3A_175 : i32
      %rem3A_177 = arith.constant 3 : i32
      %rem3A_178 = arith.remsi %add3A_176, %rem3A_177 : i32
      %add3A_179 = arith.constant 2 : i32
      %add3A_180 = arith.addi %arg0, %add3A_179 : i32
      %mul3A_181 = arith.constant 23808 : i32
      %mul3A_182 = arith.muli %add3A_180, %mul3A_181 : i32
      %dma_start3A = tpu.memref_slice %arg6[%rem3A_178] : memref<3x!tpu.dma_semaphore, #tpu.memory_space<semaphore_mem>> -> memref<1x!tpu.dma_semaphore, #tpu.memory_space<semaphore_mem>>
      %dma_start3A_183 = tpu.memref_squeeze %dma_start3A : memref<1x!tpu.dma_semaphore, #tpu.memory_space<semaphore_mem>> -> memref<!tpu.dma_semaphore, #tpu.memory_space<semaphore_mem>>
      %dma_start3A_184 = arith.constant 0 : i32
      %dma_start3A_185 = arith.constant 0 : i32
      %dma_start3A_186 = tpu.memref_slice %arg5[%rem3A_178, %dma_start3A_184, %dma_start3A_185] : memref<3x64x23808xf32, #tpu.memory_space<vmem>> -> memref<1x64x23808xf32, #tpu.memory_space<vmem>>
      %dma_start3A_187 = tpu.memref_squeeze %dma_start3A_186 : memref<1x64x23808xf32, #tpu.memory_space<vmem>> -> memref<64x23808xf32, #tpu.memory_space<vmem>>
      %dma_start3A_188 = arith.constant 0 : i32
      %dma_start3A_189 = tpu.memref_slice %arg1[%dma_start3A_188, %mul3A_182] : memref<64x1000000xf32, #tpu.memory_space<any>> -> memref<64x23808xf32, #tpu.memory_space<any>>
      tpu.enqueue_dma source(%dma_start3A_189 : memref<64x23808xf32, #tpu.memory_space<any>>) target(%dma_start3A_187 : memref<64x23808xf32, #tpu.memory_space<vmem>>) target_semaphore(%dma_start3A_183 : memref<!tpu.dma_semaphore, #tpu.memory_space<semaphore_mem>>)
    } else {
    }
    %rem3A = arith.constant 3 : i32
    %rem3A_7 = arith.remsi %arg0, %rem3A : i32
    %mul3A = arith.constant 23808 : i32
    %mul3A_8 = arith.muli %arg0, %mul3A : i32
    %dma_wait3A = tpu.memref_slice %arg6[%rem3A_7] : memref<3x!tpu.dma_semaphore, #tpu.memory_space<semaphore_mem>> -> memref<1x!tpu.dma_semaphore, #tpu.memory_space<semaphore_mem>>
    %dma_wait3A_9 = tpu.memref_squeeze %dma_wait3A : memref<1x!tpu.dma_semaphore, #tpu.memory_space<semaphore_mem>> -> memref<!tpu.dma_semaphore, #tpu.memory_space<semaphore_mem>>
    %dma_wait3A_10 = arith.constant 0 : i32
    %dma_wait3A_11 = arith.constant 0 : i32
    %dma_wait3A_12 = tpu.memref_slice %arg5[%rem3A_7, %dma_wait3A_10, %dma_wait3A_11] : memref<3x64x23808xf32, #tpu.memory_space<vmem>> -> memref<1x64x23808xf32, #tpu.memory_space<vmem>>
    %dma_wait3A_13 = tpu.memref_squeeze %dma_wait3A_12 : memref<1x64x23808xf32, #tpu.memory_space<vmem>> -> memref<64x23808xf32, #tpu.memory_space<vmem>>
    %dma_wait3A_14 = arith.constant 0 : i32
    %dma_wait3A_15 = tpu.memref_slice %arg1[%dma_wait3A_14, %mul3A_8] : memref<64x1000000xf32, #tpu.memory_space<any>> -> memref<64x23808xf32, #tpu.memory_space<any>>
    tpu.wait_dma2 semaphore(%dma_wait3A_9 : memref<!tpu.dma_semaphore, #tpu.memory_space<semaphore_mem>>) src(%dma_wait3A_15 : memref<64x23808xf32, #tpu.memory_space<any>>) dst(%dma_wait3A_13 : memref<64x23808xf32, #tpu.memory_space<vmem>>)
    %get3A = arith.constant 0 : index
    %get3A_16 = arith.constant 0 : index
    %get3A_17 = vector.load %arg2[%get3A, %get3A_16] : memref<64x16xf32, #tpu.memory_space<vmem>>, vector<64x16xf32>
    %get3A_18 = arith.constant 0 : index
    %get3A_19 = arith.constant 0 : index
    %get3A_20 = vector.load %arg3[%get3A_18, %get3A_19] : memref<1x16xf32, #tpu.memory_space<vmem>>, vector<1x16xf32>
    %get3A_21 = arith.index_cast %rem3A_7 : i32 to index
    %get3A_22 = arith.constant 0 : index
    %get3A_23 = arith.constant 0 : index
    %get3A_24 = vector.load %arg5[%get3A_21, %get3A_22, %get3A_23] : memref<3x64x23808xf32, #tpu.memory_space<vmem>>, vector<1x64x2976xf32>
    %get3A_25 = vector.shape_cast %get3A_24 : vector<1x64x2976xf32> to vector<64x2976xf32>
    %dot_general3A = arith.constant dense<0.000000e+00> : vector<2976x16xf32>
    %dot_general3A_26 = tpu.matmul %get3A_25, %get3A_17, %dot_general3A {dimension_numbers = #tpu.dot_dimension_numbers<[0], [0], [1], [1], [0, 1, 1, 1], [], []>, transpose_lhs_hint = false} : vector<64x2976xf32>, vector<64x16xf32>, vector<2976x16xf32> -> vector<2976x16xf32>
    %add3A_27 = vector.broadcast %get3A_20 : vector<1x16xf32> to vector<2976x16xf32>
    %add3A_28 = arith.addf %dot_general3A_26, %add3A_27 : vector<2976x16xf32>
    %gt3A = arith.constant 0.000000e+00 : f32
    %gt3A_29 = vector.broadcast %gt3A : f32 to vector<2976x16xf32>
    %gt3A_30 = arith.cmpf ogt, %add3A_28, %gt3A_29 : vector<2976x16xf32>
    %exp3A = math.exp %add3A_28 : vector<2976x16xf32>
    %sub3A = arith.constant 1.000000e+00 : f32
    %sub3A_31 = vector.broadcast %sub3A : f32 to vector<2976x16xf32>
    %sub3A_32 = arith.subf %exp3A, %sub3A_31 : vector<2976x16xf32>
    %select_n3A = arith.select %gt3A_30, %add3A_28, %sub3A_32 : vector<2976x16xi1>, vector<2976x16xf32>
    %swap3A = arith.constant 0 : index
    %swap3A_33 = arith.constant 0 : index
    %swap3A_34 = vector.load %arg4[%swap3A, %swap3A_33] : memref<2976x128xf32, #tpu.memory_space<vmem>>, vector<2976x16xf32>
    tpu.vector_store %arg4[%swap3A, %swap3A_33], %select_n3A {strides = array<i32>} : memref<2976x128xf32, #tpu.memory_space<vmem>>, vector<2976x16xf32>,
    %get3A_35 = arith.index_cast %rem3A_7 : i32 to index
    %get3A_36 = arith.constant 0 : index
    %get3A_37 = arith.constant 2976 : index
    %get3A_38 = vector.load %arg5[%get3A_35, %get3A_36, %get3A_37] : memref<3x64x23808xf32, #tpu.memory_space<vmem>>, vector<1x64x2976xf32>
    %get3A_39 = vector.shape_cast %get3A_38 : vector<1x64x2976xf32> to vector<64x2976xf32>
    %dot_general3A_40 = arith.constant dense<0.000000e+00> : vector<2976x16xf32>
    %dot_general3A_41 = tpu.matmul %get3A_39, %get3A_17, %dot_general3A_40 {dimension_numbers = #tpu.dot_dimension_numbers<[0], [0], [1], [1], [0, 1, 1, 1], [], []>, transpose_lhs_hint = false} : vector<64x2976xf32>, vector<64x16xf32>, vector<2976x16xf32> -> vector<2976x16xf32>
    %add3A_42 = vector.broadcast %get3A_20 : vector<1x16xf32> to vector<2976x16xf32>
    %add3A_43 = arith.addf %dot_general3A_41, %add3A_42 : vector<2976x16xf32>
    %gt3A_44 = arith.constant 0.000000e+00 : f32
    %gt3A_45 = vector.broadcast %gt3A_44 : f32 to vector<2976x16xf32>
    %gt3A_46 = arith.cmpf ogt, %add3A_43, %gt3A_45 : vector<2976x16xf32>
    %exp3A_47 = math.exp %add3A_43 : vector<2976x16xf32>
    %sub3A_48 = arith.constant 1.000000e+00 : f32
    %sub3A_49 = vector.broadcast %sub3A_48 : f32 to vector<2976x16xf32>
    %sub3A_50 = arith.subf %exp3A_47, %sub3A_49 : vector<2976x16xf32>
    %select_n3A_51 = arith.select %gt3A_46, %add3A_43, %sub3A_50 : vector<2976x16xi1>, vector<2976x16xf32>
    %swap3A_52 = arith.constant 0 : index
    %swap3A_53 = arith.constant 16 : index
    %swap3A_54 = vector.load %arg4[%swap3A_52, %swap3A_53] : memref<2976x128xf32, #tpu.memory_space<vmem>>, vector<2976x16xf32>
    tpu.vector_store %arg4[%swap3A_52, %swap3A_53], %select_n3A_51 {strides = array<i32>} : memref<2976x128xf32, #tpu.memory_space<vmem>>, vector<2976x16xf32>,
    %get3A_55 = arith.index_cast %rem3A_7 : i32 to index
    %get3A_56 = arith.constant 0 : index
    %get3A_57 = arith.constant 5952 : index
    %get3A_58 = vector.load %arg5[%get3A_55, %get3A_56, %get3A_57] : memref<3x64x23808xf32, #tpu.memory_space<vmem>>, vector<1x64x2976xf32>
    %get3A_59 = vector.shape_cast %get3A_58 : vector<1x64x2976xf32> to vector<64x2976xf32>
    %dot_general3A_60 = arith.constant dense<0.000000e+00> : vector<2976x16xf32>
    %dot_general3A_61 = tpu.matmul %get3A_59, %get3A_17, %dot_general3A_60 {dimension_numbers = #tpu.dot_dimension_numbers<[0], [0], [1], [1], [0, 1, 1, 1], [], []>, transpose_lhs_hint = false} : vector<64x2976xf32>, vector<64x16xf32>, vector<2976x16xf32> -> vector<2976x16xf32>
    %add3A_62 = vector.broadcast %get3A_20 : vector<1x16xf32> to vector<2976x16xf32>
    %add3A_63 = arith.addf %dot_general3A_61, %add3A_62 : vector<2976x16xf32>
    %gt3A_64 = arith.constant 0.000000e+00 : f32
    %gt3A_65 = vector.broadcast %gt3A_64 : f32 to vector<2976x16xf32>
    %gt3A_66 = arith.cmpf ogt, %add3A_63, %gt3A_65 : vector<2976x16xf32>
    %exp3A_67 = math.exp %add3A_63 : vector<2976x16xf32>
    %sub3A_68 = arith.constant 1.000000e+00 : f32
    %sub3A_69 = vector.broadcast %sub3A_68 : f32 to vector<2976x16xf32>
    %sub3A_70 = arith.subf %exp3A_67, %sub3A_69 : vector<2976x16xf32>
    %select_n3A_71 = arith.select %gt3A_66, %add3A_63, %sub3A_70 : vector<2976x16xi1>, vector<2976x16xf32>
    %swap3A_72 = arith.constant 0 : index
    %swap3A_73 = arith.constant 32 : index
    %swap3A_74 = vector.load %arg4[%swap3A_72, %swap3A_73] : memref<2976x128xf32, #tpu.memory_space<vmem>>, vector<2976x16xf32>
    tpu.vector_store %arg4[%swap3A_72, %swap3A_73], %select_n3A_71 {strides = array<i32>} : memref<2976x128xf32, #tpu.memory_space<vmem>>, vector<2976x16xf32>,
    %get3A_75 = arith.index_cast %rem3A_7 : i32 to index
    %get3A_76 = arith.constant 0 : index
    %get3A_77 = arith.constant 8928 : index
    %get3A_78 = vector.load %arg5[%get3A_75, %get3A_76, %get3A_77] : memref<3x64x23808xf32, #tpu.memory_space<vmem>>, vector<1x64x2976xf32>
    %get3A_79 = vector.shape_cast %get3A_78 : vector<1x64x2976xf32> to vector<64x2976xf32>
    %dot_general3A_80 = arith.constant dense<0.000000e+00> : vector<2976x16xf32>
    %dot_general3A_81 = tpu.matmul %get3A_79, %get3A_17, %dot_general3A_80 {dimension_numbers = #tpu.dot_dimension_numbers<[0], [0], [1], [1], [0, 1, 1, 1], [], []>, transpose_lhs_hint = false} : vector<64x2976xf32>, vector<64x16xf32>, vector<2976x16xf32> -> vector<2976x16xf32>
    %add3A_82 = vector.broadcast %get3A_20 : vector<1x16xf32> to vector<2976x16xf32>
    %add3A_83 = arith.addf %dot_general3A_81, %add3A_82 : vector<2976x16xf32>
    %gt3A_84 = arith.constant 0.000000e+00 : f32
    %gt3A_85 = vector.broadcast %gt3A_84 : f32 to vector<2976x16xf32>
    %gt3A_86 = arith.cmpf ogt, %add3A_83, %gt3A_85 : vector<2976x16xf32>
    %exp3A_87 = math.exp %add3A_83 : vector<2976x16xf32>
    %sub3A_88 = arith.constant 1.000000e+00 : f32
    %sub3A_89 = vector.broadcast %sub3A_88 : f32 to vector<2976x16xf32>
    %sub3A_90 = arith.subf %exp3A_87, %sub3A_89 : vector<2976x16xf32>
    %select_n3A_91 = arith.select %gt3A_86, %add3A_83, %sub3A_90 : vector<2976x16xi1>, vector<2976x16xf32>
    %swap3A_92 = arith.constant 0 : index
    %swap3A_93 = arith.constant 48 : index
    %swap3A_94 = vector.load %arg4[%swap3A_92, %swap3A_93] : memref<2976x128xf32, #tpu.memory_space<vmem>>, vector<2976x16xf32>
    tpu.vector_store %arg4[%swap3A_92, %swap3A_93], %select_n3A_91 {strides = array<i32>} : memref<2976x128xf32, #tpu.memory_space<vmem>>, vector<2976x16xf32>,
    %get3A_95 = arith.index_cast %rem3A_7 : i32 to index
    %get3A_96 = arith.constant 0 : index
    %get3A_97 = arith.constant 11904 : index
    %get3A_98 = vector.load %arg5[%get3A_95, %get3A_96, %get3A_97] : memref<3x64x23808xf32, #tpu.memory_space<vmem>>, vector<1x64x2976xf32>
    %get3A_99 = vector.shape_cast %get3A_98 : vector<1x64x2976xf32> to vector<64x2976xf32>
    %dot_general3A_100 = arith.constant dense<0.000000e+00> : vector<2976x16xf32>
    %dot_general3A_101 = tpu.matmul %get3A_99, %get3A_17, %dot_general3A_100 {dimension_numbers = #tpu.dot_dimension_numbers<[0], [0], [1], [1], [0, 1, 1, 1], [], []>, transpose_lhs_hint = false} : vector<64x2976xf32>, vector<64x16xf32>, vector<2976x16xf32> -> vector<2976x16xf32>
    %add3A_102 = vector.broadcast %get3A_20 : vector<1x16xf32> to vector<2976x16xf32>
    %add3A_103 = arith.addf %dot_general3A_101, %add3A_102 : vector<2976x16xf32>
    %gt3A_104 = arith.constant 0.000000e+00 : f32
    %gt3A_105 = vector.broadcast %gt3A_104 : f32 to vector<2976x16xf32>
    %gt3A_106 = arith.cmpf ogt, %add3A_103, %gt3A_105 : vector<2976x16xf32>
    %exp3A_107 = math.exp %add3A_103 : vector<2976x16xf32>
    %sub3A_108 = arith.constant 1.000000e+00 : f32
    %sub3A_109 = vector.broadcast %sub3A_108 : f32 to vector<2976x16xf32>
    %sub3A_110 = arith.subf %exp3A_107, %sub3A_109 : vector<2976x16xf32>
    %select_n3A_111 = arith.select %gt3A_106, %add3A_103, %sub3A_110 : vector<2976x16xi1>, vector<2976x16xf32>
    %swap3A_112 = arith.constant 0 : index
    %swap3A_113 = arith.constant 64 : index
    %swap3A_114 = vector.load %arg4[%swap3A_112, %swap3A_113] : memref<2976x128xf32, #tpu.memory_space<vmem>>, vector<2976x16xf32>
    tpu.vector_store %arg4[%swap3A_112, %swap3A_113], %select_n3A_111 {strides = array<i32>} : memref<2976x128xf32, #tpu.memory_space<vmem>>, vector<2976x16xf32>,
    %get3A_115 = arith.index_cast %rem3A_7 : i32 to index
    %get3A_116 = arith.constant 0 : index
    %get3A_117 = arith.constant 14880 : index
    %get3A_118 = vector.load %arg5[%get3A_115, %get3A_116, %get3A_117] : memref<3x64x23808xf32, #tpu.memory_space<vmem>>, vector<1x64x2976xf32>
    %get3A_119 = vector.shape_cast %get3A_118 : vector<1x64x2976xf32> to vector<64x2976xf32>
    %dot_general3A_120 = arith.constant dense<0.000000e+00> : vector<2976x16xf32>
    %dot_general3A_121 = tpu.matmul %get3A_119, %get3A_17, %dot_general3A_120 {dimension_numbers = #tpu.dot_dimension_numbers<[0], [0], [1], [1], [0, 1, 1, 1], [], []>, transpose_lhs_hint = false} : vector<64x2976xf32>, vector<64x16xf32>, vector<2976x16xf32> -> vector<2976x16xf32>
    %add3A_122 = vector.broadcast %get3A_20 : vector<1x16xf32> to vector<2976x16xf32>
    %add3A_123 = arith.addf %dot_general3A_121, %add3A_122 : vector<2976x16xf32>
    %gt3A_124 = arith.constant 0.000000e+00 : f32
    %gt3A_125 = vector.broadcast %gt3A_124 : f32 to vector<2976x16xf32>
    %gt3A_126 = arith.cmpf ogt, %add3A_123, %gt3A_125 : vector<2976x16xf32>
    %exp3A_127 = math.exp %add3A_123 : vector<2976x16xf32>
    %sub3A_128 = arith.constant 1.000000e+00 : f32
    %sub3A_129 = vector.broadcast %sub3A_128 : f32 to vector<2976x16xf32>
    %sub3A_130 = arith.subf %exp3A_127, %sub3A_129 : vector<2976x16xf32>
    %select_n3A_131 = arith.select %gt3A_126, %add3A_123, %sub3A_130 : vector<2976x16xi1>, vector<2976x16xf32>
    %swap3A_132 = arith.constant 0 : index
    %swap3A_133 = arith.constant 80 : index
    %swap3A_134 = vector.load %arg4[%swap3A_132, %swap3A_133] : memref<2976x128xf32, #tpu.memory_space<vmem>>, vector<2976x16xf32>
    tpu.vector_store %arg4[%swap3A_132, %swap3A_133], %select_n3A_131 {strides = array<i32>} : memref<2976x128xf32, #tpu.memory_space<vmem>>, vector<2976x16xf32>,
    %get3A_135 = arith.index_cast %rem3A_7 : i32 to index
    %get3A_136 = arith.constant 0 : index
    %get3A_137 = arith.constant 17856 : index
    %get3A_138 = vector.load %arg5[%get3A_135, %get3A_136, %get3A_137] : memref<3x64x23808xf32, #tpu.memory_space<vmem>>, vector<1x64x2976xf32>
    %get3A_139 = vector.shape_cast %get3A_138 : vector<1x64x2976xf32> to vector<64x2976xf32>
    %dot_general3A_140 = arith.constant dense<0.000000e+00> : vector<2976x16xf32>
    %dot_general3A_141 = tpu.matmul %get3A_139, %get3A_17, %dot_general3A_140 {dimension_numbers = #tpu.dot_dimension_numbers<[0], [0], [1], [1], [0, 1, 1, 1], [], []>, transpose_lhs_hint = false} : vector<64x2976xf32>, vector<64x16xf32>, vector<2976x16xf32> -> vector<2976x16xf32>
    %add3A_142 = vector.broadcast %get3A_20 : vector<1x16xf32> to vector<2976x16xf32>
    %add3A_143 = arith.addf %dot_general3A_141, %add3A_142 : vector<2976x16xf32>
    %gt3A_144 = arith.constant 0.000000e+00 : f32
    %gt3A_145 = vector.broadcast %gt3A_144 : f32 to vector<2976x16xf32>
    %gt3A_146 = arith.cmpf ogt, %add3A_143, %gt3A_145 : vector<2976x16xf32>
    %exp3A_147 = math.exp %add3A_143 : vector<2976x16xf32>
    %sub3A_148 = arith.constant 1.000000e+00 : f32
    %sub3A_149 = vector.broadcast %sub3A_148 : f32 to vector<2976x16xf32>
    %sub3A_150 = arith.subf %exp3A_147, %sub3A_149 : vector<2976x16xf32>
    %select_n3A_151 = arith.select %gt3A_146, %add3A_143, %sub3A_150 : vector<2976x16xi1>, vector<2976x16xf32>
    %swap3A_152 = arith.constant 0 : index
    %swap3A_153 = arith.constant 96 : index
    %swap3A_154 = vector.load %arg4[%swap3A_152, %swap3A_153] : memref<2976x128xf32, #tpu.memory_space<vmem>>, vector<2976x16xf32>
    tpu.vector_store %arg4[%swap3A_152, %swap3A_153], %select_n3A_151 {strides = array<i32>} : memref<2976x128xf32, #tpu.memory_space<vmem>>, vector<2976x16xf32>,
    %get3A_155 = arith.index_cast %rem3A_7 : i32 to index
    %get3A_156 = arith.constant 0 : index
    %get3A_157 = arith.constant 20832 : index
    %get3A_158 = vector.load %arg5[%get3A_155, %get3A_156, %get3A_157] : memref<3x64x23808xf32, #tpu.memory_space<vmem>>, vector<1x64x2976xf32>
    %get3A_159 = vector.shape_cast %get3A_158 : vector<1x64x2976xf32> to vector<64x2976xf32>
    %dot_general3A_160 = arith.constant dense<0.000000e+00> : vector<2976x16xf32>
    %dot_general3A_161 = tpu.matmul %get3A_159, %get3A_17, %dot_general3A_160 {dimension_numbers = #tpu.dot_dimension_numbers<[0], [0], [1], [1], [0, 1, 1, 1], [], []>, transpose_lhs_hint = false} : vector<64x2976xf32>, vector<64x16xf32>, vector<2976x16xf32> -> vector<2976x16xf32>
    %add3A_162 = vector.broadcast %get3A_20 : vector<1x16xf32> to vector<2976x16xf32>
    %add3A_163 = arith.addf %dot_general3A_161, %add3A_162 : vector<2976x16xf32>
    %gt3A_164 = arith.constant 0.000000e+00 : f32
    %gt3A_165 = vector.broadcast %gt3A_164 : f32 to vector<2976x16xf32>
    %gt3A_166 = arith.cmpf ogt, %add3A_163, %gt3A_165 : vector<2976x16xf32>
    %exp3A_167 = math.exp %add3A_163 : vector<2976x16xf32>
    %sub3A_168 = arith.constant 1.000000e+00 : f32
    %sub3A_169 = vector.broadcast %sub3A_168 : f32 to vector<2976x16xf32>
    %sub3A_170 = arith.subf %exp3A_167, %sub3A_169 : vector<2976x16xf32>
    %select_n3A_171 = arith.select %gt3A_166, %add3A_163, %sub3A_170 : vector<2976x16xi1>, vector<2976x16xf32>
    %swap3A_172 = arith.constant 0 : index
    %swap3A_173 = arith.constant 112 : index
    %swap3A_174 = vector.load %arg4[%swap3A_172, %swap3A_173] : memref<2976x128xf32, #tpu.memory_space<vmem>>, vector<2976x16xf32>
    tpu.vector_store %arg4[%swap3A_172, %swap3A_173], %select_n3A_171 {strides = array<i32>} : memref<2976x128xf32, #tpu.memory_space<vmem>>, vector<2976x16xf32>,
    return
  }
  func.func @transform_1(%arg0: i32) -> (i32, i32) {
    %c0_i32 = arith.constant 0 : i32
    %c0_i32_0 = arith.constant 0 : i32
    %c0_i32_1 = arith.constant 0 : i32
    return %c0_i32, %c0_i32_0 : i32, i32
  }
  func.func @transform_2(%arg0: i32) -> (i32, i32) {
    %c0_i32 = arith.constant 0 : i32
    %c0_i32_0 = arith.constant 0 : i32
    %c0_i32_1 = arith.constant 0 : i32
    return %c0_i32, %c0_i32_0 : i32, i32
  }
  func.func @transform_3(%arg0: i32) -> (i32, i32) {
    %c0_i32 = arith.constant 0 : i32
    %c0_i32_0 = arith.constant 0 : i32
    return %arg0, %c0_i32 : i32, i32
  }
}

module attributes {stable_mosaic.version = 14 : i64} {
  func.func @_tail_body(%arg0: i32, %arg1: memref<125000x128xf32, #tpu.memory_space<any>>, %arg2: memref<8x128xf32, #tpu.memory_space<vmem>>, %arg3: memref<8x128xf32, #tpu.memory_space<vmem>>) attributes {dimension_semantics = [#tpu.dimension_semantics<arbitrary>], iteration_bounds = array<i64: 1>, scalar_prefetch = 0 : i64, scratch_operands = 0 : i64, tpu.core_type = #tpu.core_type<tc>, window_params = [{}, {pipeline_mode = #tpu.pipeline_mode<synchronous>, transform_indices = @transform_1, window_bounds = array<i64: 8, 128>}, {transform_indices = @transform_2, window_bounds = array<i64: 8, 128>}]} {
    %get3A = arith.constant 0 : index
    %get3A_0 = arith.constant 0 : index
    %get3A_1 = vector.load %arg2[%get3A, %get3A_0] : memref<8x128xf32, #tpu.memory_space<vmem>>, vector<8x128xf32>
    %swap3A = arith.constant 0 : index
    %swap3A_2 = arith.constant 0 : index
    %swap3A_3 = vector.load %arg3[%swap3A, %swap3A_2] : memref<8x128xf32, #tpu.memory_space<vmem>>, vector<8x128xf32>
    tpu.vector_store %arg3[%swap3A, %swap3A_2], %get3A_1 {strides = array<i32>} : memref<8x128xf32, #tpu.memory_space<vmem>>, vector<8x128xf32>,
    return
  }
  func.func @transform_1(%arg0: i32) -> (i32, i32) {
    %c0_i32 = arith.constant 0 : i32
    %c0_i32_0 = arith.constant 0 : i32
    %c0_i32_1 = arith.constant 0 : i32
    return %c0_i32, %c0_i32_0 : i32, i32
  }
  func.func @transform_2(%arg0: i32) -> (i32, i32) {
    %c15624_i32 = arith.constant 15624 : i32
    %c0_i32 = arith.constant 0 : i32
    %c0_i32_0 = arith.constant 0 : i32
    return %c15624_i32, %c0_i32 : i32, i32
  }
}

</mosaic_0001>

<sc_bundles>
// kernel: kernel.5.cloned.1.call-start
scs
__scs_entry_jumppad:
0x0: {  	(pc) =	sbr.rel $0x88, $3  }
0x1: {  	(tag) =	ssettag $0x0;
	lr =	simm.s32 $0x1  }
0x2: {  	[smem:$0x3F9B] =	sst lr;
	_ =	strace $0xD0000000  }
0x3: {  	_ = 	snop  }
0x4: {  	_ = 	snop  }
0x5: {  	_ = 	snop  }
0x6: {  	_ = 	snop  }
0x7: {  	_ = 	snop  }
__scs_overlays_trampoline_lowered:
0x8: {  	[smem:$0x3FAA] =	sst s0  }
0x9: {  	[smem:$0x3FAB] =	sst s1  }
0xa: {  	[smem:$0x3FAC] =	sst s2  }
0xb: {  	[smem:$0x3FAD] =	sst s3  }
0xc: {  	[smem:$0x3FAE] =	sst s4  }
0xd: {  	[smem:$0x3FAF] =	sst s5  }
0xe: {  	[smem:$0x3FB0] =	sst s6  }
0xf: {  	[smem:$0x3FB1] =	sst s7  }
0x10: {  	[smem:$0x3FB2] =	sst s8  }
0x11: {  	[smem:$0x3FB3] =	sst s9;
	s0 =	simm.s32 @!p0 $0x0  }
0x12: {  	s1 =	sld [smem:$0x3F99];
	s0 =	simm.s32 @p0 $0x1  }
0x13: {  	[smem:$0x3FB4] =	sst s0;
	s0 =	simm.s32 @!p1 $0x0  }
0x14: {  	s2 =	sld [smem:$0x3F98];
	s0 =	simm.s32 @p1 $0x1  }
0x15: {  	[smem:$0x3FB5] =	sst s0;
	s0 =	simm.s32 @!p2 $0x0  }
0x16: {  	s3 =	sld [smem:$0x3FDB];
	s0 =	simm.s32 @p2 $0x1  }
0x17: {  	s4 =	simm.s32 $0x1BF5;
	[smem:$0x3FB7] =	sst s0  }
0x18: {  	s0 =	sld [smem:$0x3F9A];
	_ =	swait.ge [sflag:s4], $0x0  }
0x19: {  	s7 =	sld [smem:$0x3F9B]  }
0x1a: {  	s8 =	sadd.s32 $0xFFFFE003, lr  }
0x1b: {  	s9 =	sadd.s32 $0xFFFFFEF7, lr;
	s5 =	simm.s32 $0xFFFFFFFF;
	p2 =	slt.u32 s8, $0xFFFFF086  }
0x1c: {  	p1 =	slt.u32 s9, $0xF7A;
	s5 =	simm.s32 @!p2 $0x0  }
0x1d: {  	s5 =	simm.s32 @p1 $0x1;
	p0 =	seq.s32 s7, s2  }
0x1e: {  	s7 =	smul.u32 @!p0 $0xF7A, s2;
	p2 =	seq.s32 @!p0 s5, $0x0  }
0x1f: {  	s9 =	smul.u32 $0xF7A, s1;
	s8 =	simm.s32 @!p0 $0x1BF5;
	p2 =	por !p2, p0  }
0x20: {  	[sflag:s8] =	ssyncset.s32 @!p0 $0xFFFFF086;
	s6 =	sadd.s32 @!p0 s3, s7;
	s7 =	simm.s32 @!p0 $0x108  }
0x21: {  	s3 =	sadd.s32 s3, s9;
	s6 =	sadd.s32 @!p0 $0x88, s6;
	s7 =	simm.s32 @p2 $0x1082  }
0x22: {  	[simem:s7], [sflag:s8] =	dma.local @!p0 [hbm:s6], $0xF7A  }
0x23: {  	s9 =	sor.u32 $0xD0000000, s2;
	s6 =	simm.s32 $0x108;
	_ =	swait.ge @!p0 [sflag:s8], $0x0  }
0x24: {  	s3 =	sadd.s32 $0x88, s3;
	s6 =	simm.s32 @!p1 $0x1082;
	[sflag:s4] =	ssyncset.s32 $0xFFFFF086  }
0x25: {  	[simem:s6], [sflag:s4] =	dma.local [hbm:s3], $0xF7A  }
0x26: {  	[smem:$0x3F9B] =	sst s1;
	(tag) =	ssettag s2;
	_ =	strace s9  }
0x27: {  	s1 =	sld [smem:$0x3FAB]  }
0x28: {  	s2 =	sld [smem:$0x3FAC]  }
0x29: {  	s4 =	sld [smem:$0x3FAE]  }
0x2a: {  	p0 =	seq.s32 s5, $0x0;
	s5 =	sld [smem:$0x3FAF]  }
0x2b: {  	s6 =	sld [smem:$0x3FB0]  }
0x2c: {  	s7 =	sld [smem:$0x3FB1]  }
0x2d: {  	s3 =	simm.s32 $0x108;
	s8 =	sld [smem:$0x3FB2]  }
0x2e: {  	s3 =	simm.s32 @!p0 $0x1082;
	s9 =	sld [smem:$0x3FB3]  }
0x2f: {  	lr =	sadd.s32 s0, s3;
	s0 =	sld [smem:$0x3FAA]  }
0x30: {  	s3 =	sld [smem:$0x3FAD]  }
0x31: {  	[smem:$0x3FB6] =	sst s10  }
0x32: {  	s10 =	sld [smem:$0x3FB4];
	_ =	sdelay $0x3  }
0x33: {  	p0 =	seq.s32 s10, $0x1;
	s10 =	sld [smem:$0x3FB6];
	_ =	sdelay $0x3  }
0x34: {  	[smem:$0x3FB6] =	sst s10  }
0x35: {  	s10 =	sld [smem:$0x3FB5];
	_ =	sdelay $0x3  }
0x36: {  	p1 =	seq.s32 s10, $0x1;
	s10 =	sld [smem:$0x3FB6];
	_ =	sdelay $0x3  }
0x37: {  	[smem:$0x3FB6] =	sst s10  }
0x38: {  	s10 =	sld [smem:$0x3FB7]  }
0x39: {  	_ = 	snop;
	(pc) =	sbr.ind lr, $3  }
0x3a: {  	_ = 	snop  }
0x3b: {  	_ = 	snop  }
0x3c: {  	p2 =	seq.s32 s10, $0x1;
	s10 =	sld [smem:$0x3FB6]  }
0x3d: {  	_ =	shalt  }
0x3e: {  	_ =	shalt  }
0x3f: {  	_ =	shalt  }
0x40: {  	_ =	shalt  }
0x41: {  	_ =	shalt  }
0x42: {  	_ =	shalt  }
0x43: {  	_ =	shalt  }
0x44: {  	_ =	shalt  }
0x45: {  	_ =	shalt  }
0x46: {  	_ =	shalt  }
0x47: {  	_ =	shalt  }
0x48: {  	_ =	shalt  }
0x49: {  	_ =	shalt  }
0x4a: {  	_ =	shalt  }
0x4b: {  	_ =	shalt  }
0x4c: {  	_ =	shalt  }
0x4d: {  	_ =	shalt  }
0x4e: {  	_ =	shalt  }
0x4f: {  	_ =	shalt  }
0x50: {  	_ =	shalt  }
0x51: {  	_ =	shalt  }
0x52: {  	_ =	shalt  }
0x53: {  	_ =	shalt  }
0x54: {  	_ =	shalt  }
0x55: {  	_ =	shalt  }
0x56: {  	_ =	shalt  }
0x57: {  	_ =	shalt  }
0x58: {  	_ =	shalt  }
0x59: {  	_ =	shalt  }
0x5a: {  	_ =	shalt  }
0x5b: {  	_ =	shalt  }
0x5c: {  	_ =	shalt  }
0x5d: {  	_ =	shalt  }
0x5e: {  	_ =	shalt  }
0x5f: {  	_ =	shalt  }
0x60: {  	_ =	shalt  }
0x61: {  	_ =	shalt  }
0x62: {  	_ =	shalt  }
0x63: {  	_ =	shalt  }
0x64: {  	_ =	shalt  }
0x65: {  	_ =	shalt  }
0x66: {  	_ =	shalt  }
0x67: {  	_ =	shalt  }
0x68: {  	_ =	shalt  }
0x69: {  	_ =	shalt  }
0x6a: {  	_ =	shalt  }
0x6b: {  	_ =	shalt  }
0x6c: {  	_ =	shalt  }
0x6d: {  	_ =	shalt  }
0x6e: {  	_ =	shalt  }
0x6f: {  	_ =	shalt  }
0x70: {  	_ =	shalt  }
0x71: {  	_ =	shalt  }
0x72: {  	_ =	shalt  }
0x73: {  	_ =	shalt  }
0x74: {  	_ =	shalt  }
0x75: {  	_ =	shalt  }
0x76: {  	_ =	shalt  }
0x77: {  	_ =	shalt  }
0x78: {  	_ =	shalt  }
0x79: {  	_ =	shalt  }
0x7a: {  	_ =	shalt  }
0x7b: {  	_ =	shalt  }
0x7c: {  	_ =	shalt  }
0x7d: {  	_ =	shalt  }
0x7e: {  	_ =	shalt  }
0x7f: {  	_ =	shalt  }
0x80: {  	_ =	shalt  }
0x81: {  	_ =	shalt  }
0x82: {  	_ =	shalt  }
0x83: {  	_ =	shalt  }
0x84: {  	_ =	shalt  }
0x85: {  	_ =	shalt  }
0x86: {  	_ =	shalt  }
0x87: {  	_ =	shalt  }
.Lfunc_end0:
.L_simem_size_0:
called_computation_lowered:
.L_overlay_start_0:
0x88: {  	s2 =	sld [smem:$0x3FD9]  }
0x89: {  	s3 =	sld [smem:$0x3FFE];
	_ =	sdelay $0x1  }
0x8a: {  	s1 =	srdreg.scid  }
0x8b: {  	s0 =	sand.u32 $0x1, s1  }
0x8c: {  	s17 =	sshll.u32 s0, $0xA;
	s2 =	sadd.s32 s3, s2  }
0x8d: {  	s2 =	sadd.s32 s2, s17  }
0x8e: {  	[smem:$0x3FC2] =	sst s2  }
0x8f: {  	_ = 	snop  }
0x90: {  	s2 =	sld [smem:$0x3FD0];
	(tm) =	ssettm $0x1  }
0x91: {  	s18 =	sld [smem:$0x3FFB];
	_ =	sdelay $0x3  }
0x92: {  	_ =	strace s18  }
0x93: {  	s3 =	sld [smem:$0x3FFC];
	_ =	sdelay $0x3  }
0x94: {  	_ =	strace s3  }
0x95: {  	s3 =	sld [smem:$0x3FFD];
	_ =	sdelay $0x3  }
0x96: {  	_ =	strace s3  }
0x97: {  	_ =	strace $0x8FFFFFFF  }
0x98: {  	s19 =	sld [smem:$0x3FDB];
	_ =	sdelay $0x1  }
0x99: {  	s4 =	simm.s32 $_scs_section_size  }
0x9a: {  	s5 =	simm.s32 $_size__tile_overlayer_lowered;
	s6 =	simm.s32 $_tile_overlayer_lowered  }
0x9b: {  	s22 =	simm.s32 $0x1BFF;
	s21 =	sshll.u32 s6, $0x1;
	s3 =	sadd.s32 s4, s19  }
0x9c: {  	s7 =	simm.s32 $0x0;
	s20 =	sshll.u32 s5, $0x1;
	s5 =	sadd.s32 s21, s3  }
0x9d: {  	[timem:s7], [sflag:s22] =	dma.local [hbm:s5], s20  }
0x9e: {  	_ =	swait.ge [sflag:s22], s20  }
0x9f: {  	s4 =	ssub.s32 $0x0, s20;
	[sflag:s22] =	ssyncset.done $0x0  }
0xa0: {  	[sflag:s22] =	ssyncadd.s32 s4;
	_ =	sdelay $0x1  }
0xa1: {  	s23 =	simm.s32 $0x1B8B  }
0xa2: {  	_ =	swait.ge [sflag:s23], $0x1  }
0xa3: {  	[sflag:s23] =	ssyncset.done $0x0  }
0xa4: {  	s25 =	simm.s32 $0x1B8E;
	s24 =	sld [smem:$0x3FFE];
	[sflag:s23] =	ssyncadd.s32 $0xFFFFFFFF  }
0xa5: {  	s26 =	simm.s32 $execute0_lowered;
	[smem:$0x3FD2] =	sst s25  }
0xa6: {  	s5 =	sshll.u32 s26, $0x1;
	_ =	strace $0x80000046;
	[dreg:$0x1] =	wrdreg $0xFFFFFFFF  }
0xa7: {  	s28 =	simm.s32 $_size_execute0_lowered;
	s3 =	sadd.s32 s3, s5;
	[dreg:$0x0] =	wrdreg $0x0  }
0xa8: {  	s5 =	sshll.u32 s28, $0x1;
	[dreg:$0x2] =	wrdreg s3  }
0xa9: {  	[dreg:$0x3] =	wrdreg s5  }
0xaa: {  	[dreg:$0x4] =	wrdreg $0xC0  }
0xab: {  	_ =	task [dreg:s7], $0x5FFFF  }
0xac: {  	[dreg:$0x1] =	wrdreg $0xFFFFFFFF  }
0xad: {  	[dreg:$0x0] =	wrdreg $0x60  }
0xae: {  	[dreg:$0x2] =	wrdreg s24  }
0xaf: {  	[dreg:$0x3] =	wrdreg s2  }
0xb0: {  	[dreg:$0x4] =	wrdreg $0x9  }
0xb1: {  	_ =	task.clear_ibuf [dreg:s7], $0x5FFFF;
	_ =	strace $0x90000046  }
0xb2: {  	s29 =	simm.s32 $0x9;
	_ =	strace $0x80000048  }
0xb3: {  	_ =	swait.ge [sflag:s29], $0x1  }
0xb4: {  	[sflag:s29] =	ssyncadd.s32 $0xFFFFFFFF  }
0xb5: {  	_ =	strace $0x90000048  }
0xb6: {  	_ =	sfence  }
0xb7: {  	s30 =	sld [smem:$0x0];
	_ =	sdelay $0x2  }
0xb8: {  	s31 =	sshll.u32 s1, $0xD;
	s1 =	sshrl.u32 s1, $0x2  }
0xb9: {  	s3 =	sand.u32 $0x4000, s31;
	s1 =	sadd.s32 s1, s30  }
0xba: {  	s0 =	sor.u32 s3, s0;
	s1 =	sshll.u32 s1, $0x11  }
0xbb: {  	s0 =	sor.u32 s1, s0  }
0xbc: {  	s0 =	sadd.s32 $0x8F2B, s0  }
0xbd: {  	[sflag:s0] =	ssyncadd.remote.s32 $0x1  }
0xbe: {  	_ =	sfence.sel $0xFFFF  }
0xbf: {  	[dreg:$0x0] =	wrdreg $0xFFFFFFFF;
	(pc) =	sbr.abs _section_cstart, $3  }
0xc0: {  	[dreg:$0x1] =	wrdreg $0xFFFFFFFF  }
0xc1: {  	_ =	task.clear_ibuf [dreg:s7], $0x2FFFF;
	_ =	strace $0x9FFFFFFF  }
0xc2: {  	(tm) =	ssettm $0x7FFFFFFF  }
0xc3: {  	_ =	shalt  }
tec
execute0_lowered:
.L_overlay_start_1:
0x0: {  	(tag) =	ssettag $0x1  }
0x1: {  	s1 =	srdreg.scid;
	s0 =	stileid.u32  }
0x2: {  	s22 =	sand.u32 $0x1, s1;
	s26 =	sshll.u32 s0, $0x1  }
0x3: {  	s8 =	rddreg [dreg:$0x0];
	s9 =	sor.u32 s22, s26  }
0x4: {  	s21 =	rddreg [dreg:$0x1];
	s23 =	smul.u32 $0x6400, s9  }
0x5: {  	s2 =	simm.s32 $0x0;
	s1 =	rddreg [dreg:$0x2]  }
0x6: {  	[smem:$0x7FF] =	sst s2;
	s3 =	sshrl.u32 s23, $0x3  }
0x7: {  	_ =	strace $0x80000047;
	s4 =	sadd.s32 s21, s3;
	s3 =	simm.s32 $0x2  }
0x8: {  	[tilespmem:s2], [sflag:$0x2] =	stream.linear.gather [hbm4b:s4+s2], $0xC80, $0x38;
	[tilespmem:$0xD480] =	vst v63  }
0x9: {  	_ =	swait.ge [sflag:s3], $0xC80  }
0xa: {  	s6 =	simm.s32 $0xC80;
	[sflag:s3] =	ssyncset.done $0x0  }
0xb: {  	s7 =	simm.s32 $0x1;
	s5 =	sadd.s32 $0x800, s8;
	[sflag:s3] =	ssyncadd.s32 $0xFFFFF380  }
0xc: {  	[tilespmem:s6], [sflag:$0x1] =	stream.indirect.gather [hbm4b:s5+s6], $0x10, s2, s6, $0xb8;
	[tilespmem:$0xD480] =	vst v63  }
0xd: {  	s9 =	smul.u32 $0xC800, s9;
	_ =	swait.ge [sflag:s7], $0xC800  }
0xe: {  	s24 =	sadd.s32 $0x1E8E00, s8;
	[sflag:s7] =	ssyncset.done $0x0  }
0xf: {  	s8 =	sadd.s32 s24, s9;
	[sflag:s7] =	ssyncadd.s32 $0xFFFF3800  }
0x10: {  	[hbm4b:s8+s2] =	stream.linear.scatter [tilespmem:s6], [sflag:$0x2], $0xC800, $0x38;
	[tilespmem:$0xD480] =	vst v63  }
0x11: {  	s10 =	sadd.s32 $0xC80, s23;
	_ =	swait.ge [sflag:s3], $0xC800  }
0x12: {  	s28 =	sshrl.u32 s10, $0x3;
	[sflag:s3] =	ssyncset.done $0x0  }
0x13: {  	s9 =	sadd.s32 s21, s28;
	[sflag:s3] =	ssyncadd.s32 $0xFFFF3800  }
0x14: {  	[tilespmem:s2], [sflag:$0x2] =	stream.linear.gather [hbm4b:s9+s2], $0xC80, $0x38;
	[tilespmem:$0xD480] =	vst v63  }
0x15: {  	_ =	swait.ge [sflag:s3], $0xC80  }
0x16: {  	[sflag:s3] =	ssyncset.done $0x0  }
0x17: {  	[sflag:s3] =	ssyncadd.s32 $0xFFFFF380  }
0x18: {  	[tilespmem:s6], [sflag:$0x1] =	stream.indirect.gather [hbm4b:s5+s6], $0x10, s2, s6, $0xb8;
	[tilespmem:$0xD480] =	vst v63  }
0x19: {  	_ =	swait.ge [sflag:s7], $0xC800  }
0x1a: {  	s10 =	sshll.u32 s10, $0x1;
	[sflag:s7] =	ssyncset.done $0x0  }
0x1b: {  	s10 =	sadd.s32 s24, s10;
	[sflag:s7] =	ssyncadd.s32 $0xFFFF3800  }
0x1c: {  	[hbm4b:s10+s2] =	stream.linear.scatter [tilespmem:s6], [sflag:$0x2], $0xC800, $0x38;
	[tilespmem:$0xD480] =	vst v63  }
0x1d: {  	s12 =	sadd.s32 $0x1900, s23;
	_ =	swait.ge [sflag:s3], $0xC800  }
0x1e: {  	s11 =	sshrl.u32 s12, $0x3;
	[sflag:s3] =	ssyncset.done $0x0  }
0x1f: {  	s11 =	sadd.s32 s21, s11;
	[sflag:s3] =	ssyncadd.s32 $0xFFFF3800  }
0x20: {  	[tilespmem:s2], [sflag:$0x2] =	stream.linear.gather [hbm4b:s11+s2], $0xC80, $0x38;
	[tilespmem:$0xD480] =	vst v63  }
0x21: {  	_ =	swait.ge [sflag:s3], $0xC80  }
0x22: {  	[sflag:s3] =	ssyncset.done $0x0  }
0x23: {  	[sflag:s3] =	ssyncadd.s32 $0xFFFFF380  }
0x24: {  	[tilespmem:s6], [sflag:$0x1] =	stream.indirect.gather [hbm4b:s5+s6], $0x10, s2, s6, $0xb8;
	[tilespmem:$0xD480] =	vst v63  }
0x25: {  	_ =	swait.ge [sflag:s7], $0xC800  }
0x26: {  	s12 =	sshll.u32 s12, $0x1;
	[sflag:s7] =	ssyncset.done $0x0  }
0x27: {  	s12 =	sadd.s32 s24, s12;
	[sflag:s7] =	ssyncadd.s32 $0xFFFF3800  }
0x28: {  	[hbm4b:s12+s2] =	stream.linear.scatter [tilespmem:s6], [sflag:$0x2], $0xC800, $0x38;
	[tilespmem:$0xD480] =	vst v63  }
0x29: {  	s14 =	sadd.s32 $0x2580, s23;
	_ =	swait.ge [sflag:s3], $0xC800  }
0x2a: {  	s13 =	sshrl.u32 s14, $0x3;
	[sflag:s3] =	ssyncset.done $0x0  }
0x2b: {  	s13 =	sadd.s32 s21, s13;
	[sflag:s3] =	ssyncadd.s32 $0xFFFF3800  }
0x2c: {  	[tilespmem:s2], [sflag:$0x2] =	stream.linear.gather [hbm4b:s13+s2], $0xC80, $0x38;
	[tilespmem:$0xD480] =	vst v63  }
0x2d: {  	_ =	swait.ge [sflag:s3], $0xC80  }
0x2e: {  	[sflag:s3] =	ssyncset.done $0x0  }
0x2f: {  	[sflag:s3] =	ssyncadd.s32 $0xFFFFF380  }
0x30: {  	[tilespmem:s6], [sflag:$0x1] =	stream.indirect.gather [hbm4b:s5+s6], $0x10, s2, s6, $0xb8;
	[tilespmem:$0xD480] =	vst v63  }
0x31: {  	_ =	swait.ge [sflag:s7], $0xC800  }
0x32: {  	s14 =	sshll.u32 s14, $0x1;
	[sflag:s7] =	ssyncset.done $0x0  }
0x33: {  	s14 =	sadd.s32 s24, s14;
	[sflag:s7] =	ssyncadd.s32 $0xFFFF3800  }
0x34: {  	[hbm4b:s14+s2] =	stream.linear.scatter [tilespmem:s6], [sflag:$0x2], $0xC800, $0x38;
	[tilespmem:$0xD480] =	vst v63  }
0x35: {  	s16 =	sadd.s32 $0x3200, s23;
	_ =	swait.ge [sflag:s3], $0xC800  }
0x36: {  	s15 =	sshrl.u32 s16, $0x3;
	[sflag:s3] =	ssyncset.done $0x0  }
0x37: {  	s15 =	sadd.s32 s21, s15;
	[sflag:s3] =	ssyncadd.s32 $0xFFFF3800  }
0x38: {  	[tilespmem:s2], [sflag:$0x2] =	stream.linear.gather [hbm4b:s15+s2], $0xC80, $0x38;
	[tilespmem:$0xD480] =	vst v63  }
0x39: {  	_ =	swait.ge [sflag:s3], $0xC80  }
0x3a: {  	[sflag:s3] =	ssyncset.done $0x0  }
0x3b: {  	[sflag:s3] =	ssyncadd.s32 $0xFFFFF380  }
0x3c: {  	[tilespmem:s6], [sflag:$0x1] =	stream.indirect.gather [hbm4b:s5+s6], $0x10, s2, s6, $0xb8;
	[tilespmem:$0xD480] =	vst v63  }
0x3d: {  	_ =	swait.ge [sflag:s7], $0xC800  }
0x3e: {  	s16 =	sshll.u32 s16, $0x1;
	[sflag:s7] =	ssyncset.done $0x0  }
0x3f: {  	s16 =	sadd.s32 s24, s16;
	[sflag:s7] =	ssyncadd.s32 $0xFFFF3800  }
0x40: {  	[hbm4b:s16+s2] =	stream.linear.scatter [tilespmem:s6], [sflag:$0x2], $0xC800, $0x38;
	[tilespmem:$0xD480] =	vst v63  }
0x41: {  	s18 =	sadd.s32 $0x3E80, s23;
	_ =	swait.ge [sflag:s3], $0xC800  }
0x42: {  	s17 =	sshrl.u32 s18, $0x3;
	[sflag:s3] =	ssyncset.done $0x0  }
0x43: {  	s17 =	sadd.s32 s21, s17;
	[sflag:s3] =	ssyncadd.s32 $0xFFFF3800  }
0x44: {  	[tilespmem:s2], [sflag:$0x2] =	stream.linear.gather [hbm4b:s17+s2], $0xC80, $0x38;
	[tilespmem:$0xD480] =	vst v63  }
0x45: {  	_ =	swait.ge [sflag:s3], $0xC80  }
0x46: {  	[sflag:s3] =	ssyncset.done $0x0  }
0x47: {  	[sflag:s3] =	ssyncadd.s32 $0xFFFFF380  }
0x48: {  	[tilespmem:s6], [sflag:$0x1] =	stream.indirect.gather [hbm4b:s5+s6], $0x10, s2, s6, $0xb8;
	[tilespmem:$0xD480] =	vst v63  }
0x49: {  	_ =	swait.ge [sflag:s7], $0xC800  }
0x4a: {  	s18 =	sshll.u32 s18, $0x1;
	[sflag:s7] =	ssyncset.done $0x0  }
0x4b: {  	s18 =	sadd.s32 s24, s18;
	[sflag:s7] =	ssyncadd.s32 $0xFFFF3800  }
0x4c: {  	[hbm4b:s18+s2] =	stream.linear.scatter [tilespmem:s6], [sflag:$0x2], $0xC800, $0x38;
	[tilespmem:$0xD480] =	vst v63  }
0x4d: {  	s20 =	sadd.s32 $0x4B00, s23;
	_ =	swait.ge [sflag:s3], $0xC800  }
0x4e: {  	s19 =	sshrl.u32 s20, $0x3;
	[sflag:s3] =	ssyncset.done $0x0  }
0x4f: {  	s19 =	sadd.s32 s21, s19;
	[sflag:s3] =	ssyncadd.s32 $0xFFFF3800  }
0x50: {  	[tilespmem:s2], [sflag:$0x2] =	stream.linear.gather [hbm4b:s19+s2], $0xC80, $0x38;
	[tilespmem:$0xD480] =	vst v63  }
0x51: {  	_ =	swait.ge [sflag:s3], $0xC80  }
0x52: {  	[sflag:s3] =	ssyncset.done $0x0  }
0x53: {  	[sflag:s3] =	ssyncadd.s32 $0xFFFFF380  }
0x54: {  	[tilespmem:s6], [sflag:$0x1] =	stream.indirect.gather [hbm4b:s5+s6], $0x10, s2, s6, $0xb8;
	[tilespmem:$0xD480] =	vst v63  }
0x55: {  	_ =	swait.ge [sflag:s7], $0xC800  }
0x56: {  	s20 =	sshll.u32 s20, $0x1;
	[sflag:s7] =	ssyncset.done $0x0  }
0x57: {  	s20 =	sadd.s32 s24, s20;
	[sflag:s7] =	ssyncadd.s32 $0xFFFF3800  }
0x58: {  	[hbm4b:s20+s2] =	stream.linear.scatter [tilespmem:s6], [sflag:$0x2], $0xC800, $0x38;
	[tilespmem:$0xD480] =	vst v63  }
0x59: {  	s23 =	sadd.s32 $0x5780, s23;
	_ =	swait.ge [sflag:s3], $0xC800  }
0x5a: {  	s25 =	sshrl.u32 s23, $0x3;
	[sflag:s3] =	ssyncset.done $0x0  }
0x5b: {  	s22 =	ssub.s32 $0x2, s22;
	s21 =	sadd.s32 s21, s25;
	[sflag:s3] =	ssyncadd.s32 $0xFFFF3800  }
0x5c: {  	[tilespmem:s2], [sflag:$0x2] =	stream.linear.gather [hbm4b:s21+s2], $0xC80, $0x38;
	[tilespmem:$0xD480] =	vst v63  }
0x5d: {  	s29 =	sshrl.u32 s22, $0x1;
	_ =	swait.ge [sflag:s3], $0xC80  }
0x5e: {  	s25 =	ssub.s32 s22, s29;
	[sflag:s3] =	ssyncset.done $0x0  }
0x5f: {  	s31 =	smax.u32 s25, $0x1;
	[sflag:s3] =	ssyncadd.s32 $0xFFFFF380  }
0x60: {  	[tilespmem:s6], [sflag:$0x1] =	stream.indirect.gather [hbm4b:s5+s6], $0x10, s2, s6, $0xb8;
	[tilespmem:$0xD480] =	vst v63  }
0x61: {  	p0 =	sne.s32 s31, $0x1;
	_ =	swait.ge [sflag:s7], $0xC800  }
.Ltmp0:
0x62: {  	s30 =	sshll.u32 s23, $0x1;
	[sflag:s7] =	ssyncset.done $0x0;
	(pc) =	sbr.rel @!p0 .LBB2_2-.Ltmp0, $4  }
0x63: {  	s22 =	sadd.s32 s24, s30;
	[sflag:s7] =	ssyncadd.s32 $0xFFFF3800  }
0x64: {  	[hbm4b:s22+s2] =	stream.linear.scatter [tilespmem:s6], [sflag:$0x2], $0xC800, $0x38;
	[tilespmem:$0xD480] =	vst v63  }
0x65: {  	_ =	swait.ge [sflag:s3], $0xC800  }
0x66: {  	s23 =	sadd.s32 $0xFFFFFFFF, s31;
	[sflag:s3] =	ssyncset.done $0x0  }
.LBB2_1:
0x67: {  	p0 =	sne.s32 s23, $0x1;
	s23 =	sadd.s32 $0xFFFFFFFF, s23;
	[sflag:s3] =	ssyncadd.s32 $0xFFFF3800  }
0x68: {  	[tilespmem:s2], [sflag:$0x2] =	stream.linear.gather [hbm4b:s4+s2], $0xC80, $0x38;
	[tilespmem:$0xD480] =	vst v63  }
0x69: {  	_ =	swait.ge [sflag:s3], $0xC80  }
0x6a: {  	[sflag:s3] =	ssyncset.done $0x0  }
0x6b: {  	[sflag:s3] =	ssyncadd.s32 $0xFFFFF380  }
0x6c: {  	[tilespmem:s6], [sflag:$0x1] =	stream.indirect.gather [hbm4b:s5+s6], $0x10, s2, s6, $0xb8;
	[tilespmem:$0xD480] =	vst v63  }
0x6d: {  	_ =	swait.ge [sflag:s7], $0xC800  }
0x6e: {  	[sflag:s7] =	ssyncset.done $0x0  }
0x6f: {  	[sflag:s7] =	ssyncadd.s32 $0xFFFF3800  }
0x70: {  	[hbm4b:s8+s2] =	stream.linear.scatter [tilespmem:s6], [sflag:$0x2], $0xC800, $0x38;
	[tilespmem:$0xD480] =	vst v63  }
0x71: {  	_ =	swait.ge [sflag:s3], $0xC800  }
0x72: {  	[sflag:s3] =	ssyncset.done $0x0  }
0x73: {  	[sflag:s3] =	ssyncadd.s32 $0xFFFF3800  }
0x74: {  	[tilespmem:s2], [sflag:$0x2] =	stream.linear.gather [hbm4b:s9+s2], $0xC80, $0x38;
	[tilespmem:$0xD480] =	vst v63  }
0x75: {  	_ =	swait.ge [sflag:s3], $0xC80  }
0x76: {  	[sflag:s3] =	ssyncset.done $0x0  }
0x77: {  	[sflag:s3] =	ssyncadd.s32 $0xFFFFF380  }
0x78: {  	[tilespmem:s6], [sflag:$0x1] =	stream.indirect.gather [hbm4b:s5+s6], $0x10, s2, s6, $0xb8;
	[tilespmem:$0xD480] =	vst v63  }
0x79: {  	_ =	swait.ge [sflag:s7], $0xC800  }
0x7a: {  	[sflag:s7] =	ssyncset.done $0x0  }
0x7b: {  	[sflag:s7] =	ssyncadd.s32 $0xFFFF3800  }
0x7c: {  	[hbm4b:s10+s2] =	stream.linear.scatter [tilespmem:s6], [sflag:$0x2], $0xC800, $0x38;
	[tilespmem:$0xD480] =	vst v63  }
0x7d: {  	_ =	swait.ge [sflag:s3], $0xC800  }
0x7e: {  	[sflag:s3] =	ssyncset.done $0x0  }
0x7f: {  	[sflag:s3] =	ssyncadd.s32 $0xFFFF3800  }
0x80: {  	[tilespmem:s2], [sflag:$0x2] =	stream.linear.gather [hbm4b:s11+s2], $0xC80, $0x38;
	[tilespmem:$0xD480] =	vst v63  }
0x81: {  	_ =	swait.ge [sflag:s3], $0xC80  }
0x82: {  	[sflag:s3] =	ssyncset.done $0x0  }
0x83: {  	[sflag:s3] =	ssyncadd.s32 $0xFFFFF380  }
0x84: {  	[tilespmem:s6], [sflag:$0x1] =	stream.indirect.gather [hbm4b:s5+s6], $0x10, s2, s6, $0xb8;
	[tilespmem:$0xD480] =	vst v63  }
0x85: {  	_ =	swait.ge [sflag:s7], $0xC800  }
0x86: {  	[sflag:s7] =	ssyncset.done $0x0  }
0x87: {  	[sflag:s7] =	ssyncadd.s32 $0xFFFF3800  }
0x88: {  	[hbm4b:s12+s2] =	stream.linear.scatter [tilespmem:s6], [sflag:$0x2], $0xC800, $0x38;
	[tilespmem:$0xD480] =	vst v63  }
0x89: {  	_ =	swait.ge [sflag:s3], $0xC800  }
0x8a: {  	[sflag:s3] =	ssyncset.done $0x0  }
0x8b: {  	[sflag:s3] =	ssyncadd.s32 $0xFFFF3800  }
0x8c: {  	[tilespmem:s2], [sflag:$0x2] =	stream.linear.gather [hbm4b:s13+s2], $0xC80, $0x38;
	[tilespmem:$0xD480] =	vst v63  }
0x8d: {  	_ =	swait.ge [sflag:s3], $0xC80  }
0x8e: {  	[sflag:s3] =	ssyncset.done $0x0  }
0x8f: {  	[sflag:s3] =	ssyncadd.s32 $0xFFFFF380  }
0x90: {  	[tilespmem:s6], [sflag:$0x1] =	stream.indirect.gather [hbm4b:s5+s6], $0x10, s2, s6, $0xb8;
	[tilespmem:$0xD480] =	vst v63  }
0x91: {  	_ =	swait.ge [sflag:s7], $0xC800  }
0x92: {  	[sflag:s7] =	ssyncset.done $0x0  }
0x93: {  	[sflag:s7] =	ssyncadd.s32 $0xFFFF3800  }
0x94: {  	[hbm4b:s14+s2] =	stream.linear.scatter [tilespmem:s6], [sflag:$0x2], $0xC800, $0x38;
	[tilespmem:$0xD480] =	vst v63  }
0x95: {  	_ =	swait.ge [sflag:s3], $0xC800  }
0x96: {  	[sflag:s3] =	ssyncset.done $0x0  }
0x97: {  	[sflag:s3] =	ssyncadd.s32 $0xFFFF3800  }
0x98: {  	[tilespmem:s2], [sflag:$0x2] =	stream.linear.gather [hbm4b:s15+s2], $0xC80, $0x38;
	[tilespmem:$0xD480] =	vst v63  }
0x99: {  	_ =	swait.ge [sflag:s3], $0xC80  }
0x9a: {  	[sflag:s3] =	ssyncset.done $0x0  }
0x9b: {  	[sflag:s3] =	ssyncadd.s32 $0xFFFFF380  }
0x9c: {  	[tilespmem:s6], [sflag:$0x1] =	stream.indirect.gather [hbm4b:s5+s6], $0x10, s2, s6, $0xb8;
	[tilespmem:$0xD480] =	vst v63  }
0x9d: {  	_ =	swait.ge [sflag:s7], $0xC800  }
0x9e: {  	[sflag:s7] =	ssyncset.done $0x0  }
0x9f: {  	[sflag:s7] =	ssyncadd.s32 $0xFFFF3800  }
0xa0: {  	[hbm4b:s16+s2] =	stream.linear.scatter [tilespmem:s6], [sflag:$0x2], $0xC800, $0x38;
	[tilespmem:$0xD480] =	vst v63  }
0xa1: {  	_ =	swait.ge [sflag:s3], $0xC800  }
0xa2: {  	[sflag:s3] =	ssyncset.done $0x0  }
0xa3: {  	[sflag:s3] =	ssyncadd.s32 $0xFFFF3800  }
0xa4: {  	[tilespmem:s2], [sflag:$0x2] =	stream.linear.gather [hbm4b:s17+s2], $0xC80, $0x38;
	[tilespmem:$0xD480] =	vst v63  }
0xa5: {  	_ =	swait.ge [sflag:s3], $0xC80  }
0xa6: {  	[sflag:s3] =	ssyncset.done $0x0  }
0xa7: {  	[sflag:s3] =	ssyncadd.s32 $0xFFFFF380  }
0xa8: {  	[tilespmem:s6], [sflag:$0x1] =	stream.indirect.gather [hbm4b:s5+s6], $0x10, s2, s6, $0xb8;
	[tilespmem:$0xD480] =	vst v63  }
0xa9: {  	_ =	swait.ge [sflag:s7], $0xC800  }
0xaa: {  	[sflag:s7] =	ssyncset.done $0x0  }
0xab: {  	[sflag:s7] =	ssyncadd.s32 $0xFFFF3800  }
0xac: {  	[hbm4b:s18+s2] =	stream.linear.scatter [tilespmem:s6], [sflag:$0x2], $0xC800, $0x38;
	[tilespmem:$0xD480] =	vst v63  }
0xad: {  	_ =	swait.ge [sflag:s3], $0xC800  }
0xae: {  	[sflag:s3] =	ssyncset.done $0x0  }
0xaf: {  	[sflag:s3] =	ssyncadd.s32 $0xFFFF3800  }
0xb0: {  	[tilespmem:s2], [sflag:$0x2] =	stream.linear.gather [hbm4b:s19+s2], $0xC80, $0x38;
	[tilespmem:$0xD480] =	vst v63  }
0xb1: {  	_ =	swait.ge [sflag:s3], $0xC80  }
0xb2: {  	[sflag:s3] =	ssyncset.done $0x0  }
0xb3: {  	[sflag:s3] =	ssyncadd.s32 $0xFFFFF380  }
0xb4: {  	[tilespmem:s6], [sflag:$0x1] =	stream.indirect.gather [hbm4b:s5+s6], $0x10, s2, s6, $0xb8;
	[tilespmem:$0xD480] =	vst v63  }
0xb5: {  	_ =	swait.ge [sflag:s7], $0xC800  }
0xb6: {  	[sflag:s7] =	ssyncset.done $0x0  }
0xb7: {  	[sflag:s7] =	ssyncadd.s32 $0xFFFF3800  }
0xb8: {  	[hbm4b:s20+s2] =	stream.linear.scatter [tilespmem:s6], [sflag:$0x2], $0xC800, $0x38;
	[tilespmem:$0xD480] =	vst v63  }
0xb9: {  	_ =	swait.ge [sflag:s3], $0xC800  }
0xba: {  	[sflag:s3] =	ssyncset.done $0x0  }
0xbb: {  	[sflag:s3] =	ssyncadd.s32 $0xFFFF3800  }
0xbc: {  	[tilespmem:s2], [sflag:$0x2] =	stream.linear.gather [hbm4b:s21+s2], $0xC80, $0x38;
	[tilespmem:$0xD480] =	vst v63  }
0xbd: {  	_ =	swait.ge [sflag:s3], $0xC80  }
0xbe: {  	[sflag:s3] =	ssyncset.done $0x0  }
0xbf: {  	[sflag:s3] =	ssyncadd.s32 $0xFFFFF380  }
0xc0: {  	[tilespmem:s6], [sflag:$0x1] =	stream.indirect.gather [hbm4b:s5+s6], $0x10, s2, s6, $0xb8;
	[tilespmem:$0xD480] =	vst v63  }
0xc1: {  	_ =	swait.ge [sflag:s7], $0xC800  }
.Ltmp1:
0xc2: {  	[sflag:s7] =	ssyncset.done $0x0;
	(pc) =	sbr.rel @p0 .LBB2_1-.Ltmp1, $4  }
0xc3: {  	[sflag:s7] =	ssyncadd.s32 $0xFFFF3800  }
0xc4: {  	[hbm4b:s22+s2] =	stream.linear.scatter [tilespmem:s6], [sflag:$0x2], $0xC800, $0x38;
	[tilespmem:$0xD480] =	vst v63  }
0xc5: {  	_ =	swait.ge [sflag:s3], $0xC800  }
0xc6: {  	[sflag:s3] =	ssyncset.done $0x0  }
.LBB2_2:
0xc7: {  	[sflag:s3] =	ssyncadd.s32 $0xFFFF3800  }
0xc8: {  	_ =	sfence.sel $0x180000  }
0xc9: {  	[bflag:$0x0] =	sbarrier.arrive $0xFFFF  }
0xca: {  	p0 =	sne.s32 s0, $0x0;
	_ =	strace $0x90000047  }
0xcb: {  	s0 =	sadd.s32 @!p0 $0x100000, s1;
	[bflag:$0x2] =	sbarrier.arrive $0xFFFF  }
0xcc: {  	[sflag:s0] =	ssyncadd.tile.s32 @!p0 $0x1;
	_ =	shalt  }
.Lfunc_end2:
_tile_overlayer_lowered:
.L_overlay_start_2:
0xcd: {  	(tag) =	ssettag $0x2  }
0xce: {  	s0 =	rddreg [dreg:$0x0];
	s2 =	stileid.u32  }
0xcf: {  	s1 =	rddreg [dreg:$0x1];
	p0 =	sne.s32 s2, $0x0  }
0xd0: {  	s3 =	rddreg [dreg:$0x2];
	[bflag:$0x3] =	sbarrier.arrive $0xFFFF;
	s2 =	simm.s32 @!p0 $0x1C02  }
0xd1: {  	[timem:s3], [sflag:s2] =	dma.local @!p0 [hbm:s0], s1  }
0xd2: {  	s0 =	simm.s32 @!p0 $0x2  }
0xd3: {  	_ =	swait.ge @!p0 [sflag:s0], s1  }
0xd4: {  	s1 =	ssub.s32 @!p0 $0x0, s1;
	[sflag:s0] =	ssyncset.done @!p0 $0x0  }
0xd5: {  	[sflag:s0] =	ssyncadd.s32 @!p0 s1  }
0xd6: {  	[bflag:$0x3] =	sbarrier.arrive $0xFFFF  }
0xd7: {  	_ =	shalt  }

</sc_bundles>
